<compile_context>
chip_gen: v7x
topology: tpu7x:2x2x1
jax: 0.10.2.dev20260603
libtpu: 0.0.44.dev20260713+nightly
codegen_flags: <defaults>
</compile_context>

<pallas_src>
import functools

import jax
import jax.numpy as jnp
from jax import lax
from jax.experimental import pallas as pl
from jax.experimental.pallas import tpu as pltpu
from jax.experimental.pallas import tpu_sc as plsc

BLANK = 0
NL = 16


def _argmax_body(work_ref, w_ref, logits_hbm, preds_hbm, vbuf, obuf, sem, osem,
                 *, tblk, nt):
    V = logits_hbm.shape[-1]
    W = w_ref[0]

    NBUF = 4
    LOOKAHEAD = NBUF - 1

    def start_in(j):
        f = work_ref[j]
        return pltpu.make_async_copy(
            logits_hbm.at[f // nt, pl.ds((f % nt) * tblk, tblk)],
            vbuf.at[j % NBUF],
            sem.at[j % NBUF],
        )

    for j in range(LOOKAHEAD):
        @pl.when(j < W)
        def _():
            start_in(j).start()

    def step(k, carry):
        @pl.when(k + LOOKAHEAD < W)
        def _():
            start_in(k + LOOKAHEAD).start()

        @pl.when(k >= 2)
        def _():
            pltpu.make_async_copy(obuf.at[k % 2], obuf.at[k % 2], osem.at[k % 2]).wait()

        start_in(k).wait()
        x = vbuf[k % NBUF]
        m = jnp.max(x, axis=-1, keepdims=True)
        iota_v = lax.broadcasted_iota(jnp.int32, (tblk, V), 1)
        am = jnp.min(jnp.where(x == m, iota_v, V), axis=-1).astype(jnp.int32)
        obuf[k % 2] = am.reshape(1, tblk)

        f = work_ref[k]
        pltpu.make_async_copy(
            obuf.at[k % 2],
            preds_hbm.at[pl.ds(f // nt, 1), pl.ds((f % nt) * tblk, tblk)],
            osem.at[k % 2],
        ).start()
        return carry

    lax.fori_loop(0, W, step, 0)

    for d in range(2):
        @pl.when(W > d)
        def _():
            j = W - 1 - d
            pltpu.make_async_copy(
                obuf.at[j % 2], obuf.at[j % 2], osem.at[j % 2]
            ).wait()


def _argmax_preds(logits, logits_len, tblk=512):
    B, T, V = logits.shape
    nt = T // tblk
    nsteps = B * nt
    nb = jnp.clip((logits_len + tblk - 1) // tblk, 0, nt)
    flat = jnp.arange(nsteps, dtype=jnp.int32)
    active = (flat % nt) < nb[flat // nt]
    pos = jnp.where(active, jnp.cumsum(active) - 1, nsteps)
    work = jnp.zeros((nsteps + 1,), jnp.int32).at[pos].set(flat, mode="drop")[:nsteps]
    w_total = jnp.sum(active.astype(jnp.int32)).reshape(1)

    preds = pl.pallas_call(
        functools.partial(_argmax_body, tblk=tblk, nt=nt),
        grid_spec=pltpu.PrefetchScalarGridSpec(
            num_scalar_prefetch=2,
            grid=(1,),
            in_specs=[pl.BlockSpec(memory_space=pl.ANY)],
            out_specs=pl.BlockSpec(memory_space=pl.ANY),
            scratch_shapes=[
                pltpu.VMEM((4, tblk, V), jnp.float32),
                pltpu.VMEM((2, 1, tblk), jnp.int32),
                pltpu.SemaphoreType.DMA((4,)),
                pltpu.SemaphoreType.DMA((2,)),
            ],
        ),
        out_shape=jax.ShapeDtypeStruct((B, T), jnp.int32),
    )(work, w_total, logits)
    return preds


def _compact_body(preds_hbm, len_hbm, out_hbm, olen_hbm, buf, orow, cbuf, lbuf,
                  *, B, T):
    c = lax.axis_index("c")
    s = lax.axis_index("s")
    wid = s * 2 + c

    @pl.when(wid < B)
    def _():
        b = wid
        pltpu.sync_copy(len_hbm.at[b], lbuf)
        L = lbuf[pl.ds(0, NL)][0]
        buf[pl.ds(0, NL)] = jnp.zeros((NL,), jnp.int32)
        pltpu.sync_copy(preds_hbm.at[b], buf.at[pl.ds(NL, T)])
        neg1 = jnp.full((NL,), -1, jnp.int32)

        def fill(i, _):
            orow[pl.ds(i * NL, NL)] = neg1
            return 0

        lax.fori_loop(0, T // NL, fill, 0)

        lane = lax.iota(jnp.int32, NL)

        def body(i, cnt):
            base = NL + i * NL
            v = buf[pl.ds(base, NL)]
            prev = buf[pl.ds(base - 1, NL)]
            keep = (v != prev) & (v != BLANK) & ((i * NL + lane) < L)
            inc = plsc.cumsum(keep.astype(jnp.int32))
            posn = cnt + inc - 1
            plsc.store_scatter(orow, [posn], v, mask=keep)
            return cnt + plsc.all_reduce_population_count(keep)

        nchunk = (L + NL - 1) // NL
        cnt = lax.fori_loop(0, nchunk, body, jnp.zeros((NL,), jnp.int32))
        cbuf[...] = cnt
        pltpu.sync_copy(orow, out_hbm.at[b])
        pltpu.sync_copy(cbuf, olen_hbm.at[b])


def _compact(preds, logits_len):
    B, T = preds.shape
    len16 = jnp.broadcast_to(logits_len[:, None], (B, NL))
    mesh = plsc.VectorSubcoreMesh(
        core_axis_name="c", subcore_axis_name="s", num_cores=2, num_subcores=16
    )
    f = pl.kernel(
        functools.partial(_compact_body, B=B, T=T),
        out_type=(
            jax.ShapeDtypeStruct((B, T), jnp.int32),
            jax.ShapeDtypeStruct((B, NL), jnp.int32),
        ),
        mesh=mesh,
        scratch_types=[
            pltpu.VMEM((NL + T,), jnp.int32),
            pltpu.VMEM((T,), jnp.int32),
            pltpu.VMEM((NL,), jnp.int32),
            pltpu.VMEM((NL,), jnp.int32),
        ],
        compiler_params=pltpu.CompilerParams(use_tc_tiling_on_sc=False, needs_layout_passes=False),
    )
    return f(preds, len16)


def kernel(logits, logits_len):
    preds = _argmax_preds(logits, logits_len)
    out, len2d = _compact(preds, logits_len)
    return out, len2d[:, 0]

# --- scband reference (transcript-rebuilt; emitter-appended) ---
"""Pipeline reference for scband-ctcgreedy-search-decoder-88218628260758 (READ-ONLY COPY).

The authoritative reference and input builder live on the scoring server;
editing this copy changes nothing except your own understanding.
"""

import jax, jax.numpy as jnp
import numpy as np

BLANK_TOKEN = 0


def setup_inputs(seed: int = 0) -> dict:
    key = jax.random.key(seed)
    k1, k2 = jax.random.split(key)
    logits = jax.random.normal(k1, (16, 4096, 1024), dtype=jnp.float32)
    logits_len = jax.random.randint(k2, (16,), 0, 4096, dtype=jnp.int32)
    return {"logits": logits, "logits_len": logits_len}


def reference(logits, logits_len):
    # CTC greedy search: argmax over vocab, collapse consecutive repeats
    # within each sequence's valid length, drop blank tokens.
    # Returns (padded_tokens int32 [B, T] with -1 padding, lengths int32 [B]),
    # a dense encoding of the ragged per-batch token lists produced by the
    # original torch loop (tokenizer string decode is external and omitted).
    B, T, V = logits.shape
    preds = jnp.argmax(logits, axis=-1)  # [B, T] int
    # keep first position of each run of identical consecutive tokens
    diff = jnp.concatenate(
        [jnp.ones((B, 1), dtype=bool), preds[:, 1:] != preds[:, :-1]], axis=1
    )
    valid = jnp.arange(T)[None, :] < logits_len[:, None]
    keep = valid & diff & (preds != BLANK_TOKEN)
    # compact kept tokens to the front of each row via scatter
    pos = jnp.cumsum(keep, axis=1) - 1
    idx = jnp.where(keep, pos, T)  # dump non-kept writes into column T
    out = jnp.full((B, T + 1), -1, dtype=jnp.int32)
    out = out.at[jnp.arange(B)[:, None], idx].set(preds.astype(jnp.int32))
    lengths = keep.sum(axis=1).astype(jnp.int32)
    return out[:, :T], lengths

if __name__ == "__main__":
    import jax
    _d = setup_inputs()
    print(jax.jit(kernel)(*tuple(_d.values())))

</pallas_src>

<mosaic_0001>
#map = affine_map<(d0, d1) -> (0, 0)>
module attributes {stable_mosaic.version = 14 : i64} {
  func.func @_compact_body(%arg0: i32, %arg1: i32, %arg2: memref<16x4096xi32, #tpu.memory_space<hbm>>, %arg3: memref<16x16xi32, #tpu.memory_space<hbm>>, %arg4: memref<16x4096xi32, #tpu.memory_space<hbm>>, %arg5: memref<16x16xi32, #tpu.memory_space<hbm>>, %arg6: memref<4112xi32, #tpu.memory_space<vmem>>, %arg7: memref<4096xi32, #tpu.memory_space<vmem>>, %arg8: memref<16xi32, #tpu.memory_space<vmem>>, %arg9: memref<16xi32, #tpu.memory_space<vmem>>) attributes {dimension_semantics = [#tpu.dimension_semantics<core_parallel>, #tpu.dimension_semantics<subcore_parallel>], iteration_bounds = array<i64: 2, 16>, scalar_prefetch = 0 : i64, scratch_operands = 4 : i64, tpu.core_type = #tpu.core_type<sc_vector_subcore>, window_params = [{transform_indices = #map}, {transform_indices = #map}, {transform_indices = #map}, {transform_indices = #map}]} {
    %mul3A = arith.constant 2 : i32
    %mul3A_0 = arith.muli %arg1, %mul3A : i32
    %add3A = arith.addi %mul3A_0, %arg0 : i32
    %lt3A = arith.constant 16 : i32
    %lt3A_1 = arith.cmpi slt, %add3A, %lt3A : i32
    %convert_element_type3A = arith.extui %lt3A_1 : i1 to i32
    %cond3A = arith.constant 0 : i32
    %cond3A_2 = arith.cmpi ne, %convert_element_type3A, %cond3A : i32
    scf.if %cond3A_2 {
      "tpu.region"() ({
        %run_scoped3A = tpu.sem_alloc : memref<!tpu.dma_semaphore, #tpu.memory_space<semaphore_mem>>
        %dma_start3A = arith.constant 0 : i32
        %dma_start3A_48 = tpu.memref_slice %arg3[%add3A, %dma_start3A] : memref<16x16xi32, #tpu.memory_space<hbm>> -> memref<1x16xi32, #tpu.memory_space<hbm>>
        %dma_start3A_49 = tpu.memref_squeeze %dma_start3A_48 : memref<1x16xi32, #tpu.memory_space<hbm>> -> memref<16xi32, #tpu.memory_space<hbm>>
        %dma_start3A_50 = arith.constant 0 : i32
        %dma_start3A_51 = tpu.memref_slice %arg3[%add3A, %dma_start3A_50] : memref<16x16xi32, #tpu.memory_space<hbm>> -> memref<1x16xi32, #tpu.memory_space<hbm>>
        %dma_start3A_52 = tpu.memref_squeeze %dma_start3A_51 : memref<1x16xi32, #tpu.memory_space<hbm>> -> memref<16xi32, #tpu.memory_space<hbm>>
        tpu.enqueue_dma source(%dma_start3A_52 : memref<16xi32, #tpu.memory_space<hbm>>) target(%arg9 : memref<16xi32, #tpu.memory_space<vmem>>) target_semaphore(%run_scoped3A : memref<!tpu.dma_semaphore, #tpu.memory_space<semaphore_mem>>)
        %dma_wait3A = arith.constant 0 : i32
        %dma_wait3A_53 = tpu.memref_slice %arg3[%add3A, %dma_wait3A] : memref<16x16xi32, #tpu.memory_space<hbm>> -> memref<1x16xi32, #tpu.memory_space<hbm>>
        %dma_wait3A_54 = tpu.memref_squeeze %dma_wait3A_53 : memref<1x16xi32, #tpu.memory_space<hbm>> -> memref<16xi32, #tpu.memory_space<hbm>>
        %dma_wait3A_55 = arith.constant 0 : i32
        %dma_wait3A_56 = tpu.memref_slice %arg3[%add3A, %dma_wait3A_55] : memref<16x16xi32, #tpu.memory_space<hbm>> -> memref<1x16xi32, #tpu.memory_space<hbm>>
        %dma_wait3A_57 = tpu.memref_squeeze %dma_wait3A_56 : memref<1x16xi32, #tpu.memory_space<hbm>> -> memref<16xi32, #tpu.memory_space<hbm>>
        tpu.wait_dma2 semaphore(%run_scoped3A : memref<!tpu.dma_semaphore, #tpu.memory_space<semaphore_mem>>) src(%dma_wait3A_57 : memref<16xi32, #tpu.memory_space<hbm>>) dst(%arg9 : memref<16xi32, #tpu.memory_space<vmem>>)
        tpu.yield
      }) : () -> ()
      %get3A = arith.constant 0 : index
      %get3A_3 = tpu.vector_load %arg9[%get3A] {strides = array<i32>} : memref<16xi32, #tpu.memory_space<vmem>>, vector<16xi32>,
      %slice3A = vector.extract_strided_slice %get3A_3 {offsets = [0], sizes = [1], strides = [1]} : vector<16xi32> to vector<1xi32>
      %squeeze3A = vector.extract %slice3A[0] : i32 from vector<1xi32>
      %broadcast_in_dim3A = arith.constant 0 : i32
      %broadcast_in_dim3A_4 = vector.broadcast %broadcast_in_dim3A : i32 to vector<16xi32>
      %swap3A = arith.constant 0 : index
      %swap3A_5 = tpu.vector_load %arg6[%swap3A] {strides = array<i32>} : memref<4112xi32, #tpu.memory_space<vmem>>, vector<16xi32>,
      tpu.vector_store %arg6[%swap3A], %broadcast_in_dim3A_4 {strides = array<i32>} : memref<4112xi32, #tpu.memory_space<vmem>>, vector<16xi32>,
      "tpu.region"() ({
        %run_scoped3A = tpu.sem_alloc : memref<!tpu.dma_semaphore, #tpu.memory_space<semaphore_mem>>
        %dma_start3A = arith.constant 16 : i32
        %dma_start3A_48 = tpu.memref_slice %arg6[%dma_start3A] : memref<4112xi32, #tpu.memory_space<vmem>> -> memref<4096xi32, #tpu.memory_space<vmem>>
        %dma_start3A_49 = arith.constant 0 : i32
        %dma_start3A_50 = tpu.memref_slice %arg2[%add3A, %dma_start3A_49] : memref<16x4096xi32, #tpu.memory_space<hbm>> -> memref<1x4096xi32, #tpu.memory_space<hbm>>
        %dma_start3A_51 = tpu.memref_squeeze %dma_start3A_50 : memref<1x4096xi32, #tpu.memory_space<hbm>> -> memref<4096xi32, #tpu.memory_space<hbm>>
        %dma_start3A_52 = arith.constant 16 : i32
        %dma_start3A_53 = tpu.memref_slice %arg6[%dma_start3A_52] : memref<4112xi32, #tpu.memory_space<vmem>> -> memref<4096xi32, #tpu.memory_space<vmem>>
        %dma_start3A_54 = arith.constant 0 : i32
        %dma_start3A_55 = tpu.memref_slice %arg2[%add3A, %dma_start3A_54] : memref<16x4096xi32, #tpu.memory_space<hbm>> -> memref<1x4096xi32, #tpu.memory_space<hbm>>
        %dma_start3A_56 = tpu.memref_squeeze %dma_start3A_55 : memref<1x4096xi32, #tpu.memory_space<hbm>> -> memref<4096xi32, #tpu.memory_space<hbm>>
        tpu.enqueue_dma source(%dma_start3A_56 : memref<4096xi32, #tpu.memory_space<hbm>>) target(%dma_start3A_53 : memref<4096xi32, #tpu.memory_space<vmem>>) target_semaphore(%run_scoped3A : memref<!tpu.dma_semaphore, #tpu.memory_space<semaphore_mem>>)
        %dma_wait3A = arith.constant 16 : i32
        %dma_wait3A_57 = tpu.memref_slice %arg6[%dma_wait3A] : memref<4112xi32, #tpu.memory_space<vmem>> -> memref<4096xi32, #tpu.memory_space<vmem>>
        %dma_wait3A_58 = arith.constant 0 : i32
        %dma_wait3A_59 = tpu.memref_slice %arg2[%add3A, %dma_wait3A_58] : memref<16x4096xi32, #tpu.memory_space<hbm>> -> memref<1x4096xi32, #tpu.memory_space<hbm>>
        %dma_wait3A_60 = tpu.memref_squeeze %dma_wait3A_59 : memref<1x4096xi32, #tpu.memory_space<hbm>> -> memref<4096xi32, #tpu.memory_space<hbm>>
        %dma_wait3A_61 = arith.constant 16 : i32
        %dma_wait3A_62 = tpu.memref_slice %arg6[%dma_wait3A_61] : memref<4112xi32, #tpu.memory_space<vmem>> -> memref<4096xi32, #tpu.memory_space<vmem>>
        %dma_wait3A_63 = arith.constant 0 : i32
        %dma_wait3A_64 = tpu.memref_slice %arg2[%add3A, %dma_wait3A_63] : memref<16x4096xi32, #tpu.memory_space<hbm>> -> memref<1x4096xi32, #tpu.memory_space<hbm>>
        %dma_wait3A_65 = tpu.memref_squeeze %dma_wait3A_64 : memref<1x4096xi32, #tpu.memory_space<hbm>> -> memref<4096xi32, #tpu.memory_space<hbm>>
        tpu.wait_dma2 semaphore(%run_scoped3A : memref<!tpu.dma_semaphore, #tpu.memory_space<semaphore_mem>>) src(%dma_wait3A_65 : memref<4096xi32, #tpu.memory_space<hbm>>) dst(%dma_wait3A_62 : memref<4096xi32, #tpu.memory_space<vmem>>)
        tpu.yield
      }) : () -> ()
      %broadcast_in_dim3A_6 = arith.constant -1 : i32
      %broadcast_in_dim3A_7 = vector.broadcast %broadcast_in_dim3A_6 : i32 to vector<16xi32>
      %scan3A = arith.constant 0 : i32
      %scan3A_8 = arith.constant 0 : i32
      %scan3A_9 = arith.constant 256 : i32
      %scan3A_10 = arith.addi %scan3A_8, %scan3A_9 : i32
      %scan3A_11 = arith.constant 1 : i32
      %scan3A_12 = scf.for %scan3A_48 = %scan3A_8 to %scan3A_10 step %scan3A_11 iter_args(%scan3A_49 = %scan3A) -> (i32)  : i32 {
        %mul3A_50 = arith.constant 16 : i32
        %mul3A_51 = arith.muli %scan3A_48, %mul3A_50 : i32
        %swap3A_52 = arith.index_cast %mul3A_51 : i32 to index
        %swap3A_53 = tpu.vector_load %arg7[%swap3A_52] {strides = array<i32>} : memref<4096xi32, #tpu.memory_space<vmem>>, vector<16xi32>,
        tpu.vector_store %arg7[%swap3A_52], %broadcast_in_dim3A_7 {strides = array<i32>} : memref<4096xi32, #tpu.memory_space<vmem>>, vector<16xi32>,
        %scan3A_54 = arith.constant 0 : i32
        scf.yield %scan3A_54 : i32
      }
      %scan3A_13 = arith.constant 256 : i32
      %iota3A = tpu.iota {dimensions = array<i32: 0>} : vector<16xi32>
      %add3A_14 = arith.constant 16 : i32
      %add3A_15 = arith.addi %squeeze3A, %add3A_14 : i32
      %sub3A = arith.constant 1 : i32
      %sub3A_16 = arith.subi %add3A_15, %sub3A : i32
      %jit3A = arith.constant 16 : i32
      %div3A = arith.divsi %sub3A_16, %jit3A : i32
      %sign3A = arith.constant 0 : i32
      %sign3A_17 = arith.cmpi sgt, %sub3A_16, %sign3A : i32
      %sign3A_18 = arith.extui %sign3A_17 : i1 to i32
      %sign3A_19 = arith.constant 0 : i32
      %sign3A_20 = arith.cmpi slt, %sub3A_16, %sign3A_19 : i32
      %sign3A_21 = arith.extui %sign3A_20 : i1 to i32
      %sign3A_22 = arith.subi %sign3A_18, %sign3A_21 : i32
      %sign3A_23 = arith.constant 0 : i32
      %sign3A_24 = arith.cmpi sgt, %jit3A, %sign3A_23 : i32
      %sign3A_25 = arith.extui %sign3A_24 : i1 to i32
      %sign3A_26 = arith.constant 0 : i32
      %sign3A_27 = arith.cmpi slt, %jit3A, %sign3A_26 : i32
      %sign3A_28 = arith.extui %sign3A_27 : i1 to i32
      %sign3A_29 = arith.subi %sign3A_25, %sign3A_28 : i32
      %ne3A = arith.cmpi ne, %sign3A_22, %sign3A_29 : i32
      %rem3A = arith.remsi %sub3A_16, %jit3A : i32
      %ne3A_30 = arith.constant 0 : i32
      %ne3A_31 = arith.cmpi ne, %rem3A, %ne3A_30 : i32
      %and3A = arith.andi %ne3A, %ne3A_31 : i1
      %sub3A_32 = arith.constant 1 : i32
      %sub3A_33 = arith.subi %div3A, %sub3A_32 : i32
      %select_n3A = arith.select %and3A, %sub3A_33, %div3A : i32
      %broadcast_in_dim3A_34 = arith.constant 0 : i32
      %broadcast_in_dim3A_35 = vector.broadcast %broadcast_in_dim3A_34 : i32 to vector<16xi32>
      %while3A = arith.constant 0 : i32
      %while3A_36 = arith.subi %select_n3A, %while3A : i32
      %while3A_37 = arith.addi %while3A, %while3A_36 : i32
      %while3A_38 = arith.constant 1 : i32
      %while3A_39 = arith.divsi %while3A_36, %while3A_38 : i32
      %while3A_40 = arith.muli %while3A_39, %while3A_38 : i32
      %while3A_41 = arith.addi %while3A, %while3A_40 : i32
      %while3A_42 = arith.constant 1 : i32
      %while3A_43 = scf.for %while3A_48 = %while3A to %while3A_41 step %while3A_42 iter_args(%while3A_49 = %broadcast_in_dim3A_35) -> (vector<16xi32>)  : i32 {
        %mul3A_50 = arith.constant 16 : i32
        %mul3A_51 = arith.muli %while3A_48, %mul3A_50 : i32
        %add3A_52 = arith.constant 16 : i32
        %add3A_53 = arith.addi %add3A_52, %mul3A_51 : i32
        %get3A_54 = arith.index_cast %add3A_53 : i32 to index
        %get3A_55 = tpu.vector_load %arg6[%get3A_54] {strides = array<i32>} : memref<4112xi32, #tpu.memory_space<vmem>>, vector<16xi32>,
        %sub3A_56 = arith.constant 1 : i32
        %sub3A_57 = arith.subi %add3A_53, %sub3A_56 : i32
        %get3A_58 = arith.index_cast %sub3A_57 : i32 to index
        %get3A_59 = tpu.vector_load %arg6[%get3A_58] {strides = array<i32>} : memref<4112xi32, #tpu.memory_space<vmem>>, vector<16xi32>,
        %ne3A_60 = arith.cmpi ne, %get3A_55, %get3A_59 : vector<16xi32>
        %ne3A_61 = arith.constant 0 : i32
        %ne3A_62 = vector.broadcast %ne3A_61 : i32 to vector<16xi32>
        %ne3A_63 = arith.cmpi ne, %get3A_55, %ne3A_62 : vector<16xi32>
        %and3A_64 = arith.andi %ne3A_60, %ne3A_63 : vector<16xi1>
        %mul3A_65 = arith.constant 16 : i32
        %mul3A_66 = arith.muli %while3A_48, %mul3A_65 : i32
        %add3A_67 = vector.broadcast %mul3A_66 : i32 to vector<16xi32>
        %add3A_68 = arith.addi %add3A_67, %iota3A : vector<16xi32>
        %lt3A_69 = vector.broadcast %squeeze3A : i32 to vector<16xi32>
        %lt3A_70 = arith.cmpi slt, %add3A_68, %lt3A_69 : vector<16xi32>
        %and3A_71 = arith.andi %and3A_64, %lt3A_70 : vector<16xi1>
        %convert_element_type3A_72 = arith.extui %and3A_71 : vector<16xi1> to vector<16xi32>
        %broadcast_in_dim3A_73 = arith.constant true
        %broadcast_in_dim3A_74 = vector.broadcast %broadcast_in_dim3A_73 : i1 to vector<16xi1>
        %masked_cumsum3A = tpu.scan <sum>, %convert_element_type3A_72 masked %broadcast_in_dim3A_74 : vector<16xi32>, vector<16xi1> -> vector<16xi32>
        %add3A_75 = arith.addi %while3A_49, %masked_cumsum3A : vector<16xi32>
        %sub3A_76 = arith.constant 1 : i32
        %sub3A_77 = vector.broadcast %sub3A_76 : i32 to vector<16xi32>
        %sub3A_78 = arith.subi %add3A_75, %sub3A_77 : vector<16xi32>
        tpu.vector_store_idx %arg7[%sub3A_78], %get3A_55 masked %and3A_71 : memref<4096xi32, #tpu.memory_space<vmem>>[vector<16xi32>], vector<16xi32>, vector<16xi1>
        %all_reduce_population_count3A = tpu.all_reduce %and3A_71 {dim = 0 : i64, kind = #tpu.reduction_kind<sum>} : vector<16xi1> -> vector<16xi32>
        %add3A_79 = arith.addi %while3A_49, %all_reduce_population_count3A : vector<16xi32>
        scf.yield %add3A_79 : vector<16xi32>
      }
      %while3A_44 = arith.constant 1 : i32
      %while3A_45 = scf.for %while3A_48 = %while3A_41 to %while3A_37 step %while3A_44 iter_args(%while3A_49 = %while3A_43) -> (vector<16xi32>)  : i32 {
        %mul3A_50 = arith.constant 16 : i32
        %mul3A_51 = arith.muli %while3A_48, %mul3A_50 : i32
        %add3A_52 = arith.constant 16 : i32
        %add3A_53 = arith.addi %add3A_52, %mul3A_51 : i32
        %get3A_54 = arith.index_cast %add3A_53 : i32 to index
        %get3A_55 = tpu.vector_load %arg6[%get3A_54] {strides = array<i32>} : memref<4112xi32, #tpu.memory_space<vmem>>, vector<16xi32>,
        %sub3A_56 = arith.constant 1 : i32
        %sub3A_57 = arith.subi %add3A_53, %sub3A_56 : i32
        %get3A_58 = arith.index_cast %sub3A_57 : i32 to index
        %get3A_59 = tpu.vector_load %arg6[%get3A_58] {strides = array<i32>} : memref<4112xi32, #tpu.memory_space<vmem>>, vector<16xi32>,
        %ne3A_60 = arith.cmpi ne, %get3A_55, %get3A_59 : vector<16xi32>
        %ne3A_61 = arith.constant 0 : i32
        %ne3A_62 = vector.broadcast %ne3A_61 : i32 to vector<16xi32>
        %ne3A_63 = arith.cmpi ne, %get3A_55, %ne3A_62 : vector<16xi32>
        %and3A_64 = arith.andi %ne3A_60, %ne3A_63 : vector<16xi1>
        %mul3A_65 = arith.constant 16 : i32
        %mul3A_66 = arith.muli %while3A_48, %mul3A_65 : i32
        %add3A_67 = vector.broadcast %mul3A_66 : i32 to vector<16xi32>
        %add3A_68 = arith.addi %add3A_67, %iota3A : vector<16xi32>
        %lt3A_69 = vector.broadcast %squeeze3A : i32 to vector<16xi32>
        %lt3A_70 = arith.cmpi slt, %add3A_68, %lt3A_69 : vector<16xi32>
        %and3A_71 = arith.andi %and3A_64, %lt3A_70 : vector<16xi1>
        %convert_element_type3A_72 = arith.extui %and3A_71 : vector<16xi1> to vector<16xi32>
        %broadcast_in_dim3A_73 = arith.constant true
        %broadcast_in_dim3A_74 = vector.broadcast %broadcast_in_dim3A_73 : i1 to vector<16xi1>
        %masked_cumsum3A = tpu.scan <sum>, %convert_element_type3A_72 masked %broadcast_in_dim3A_74 : vector<16xi32>, vector<16xi1> -> vector<16xi32>
        %add3A_75 = arith.addi %while3A_49, %masked_cumsum3A : vector<16xi32>
        %sub3A_76 = arith.constant 1 : i32
        %sub3A_77 = vector.broadcast %sub3A_76 : i32 to vector<16xi32>
        %sub3A_78 = arith.subi %add3A_75, %sub3A_77 : vector<16xi32>
        tpu.vector_store_idx %arg7[%sub3A_78], %get3A_55 masked %and3A_71 : memref<4096xi32, #tpu.memory_space<vmem>>[vector<16xi32>], vector<16xi32>, vector<16xi1>
        %all_reduce_population_count3A = tpu.all_reduce %and3A_71 {dim = 0 : i64, kind = #tpu.reduction_kind<sum>} : vector<16xi1> -> vector<16xi32>
        %add3A_79 = arith.addi %while3A_49, %all_reduce_population_count3A : vector<16xi32>
        scf.yield %add3A_79 : vector<16xi32>
      }
      %swap3A_46 = arith.constant 0 : index
      %swap3A_47 = tpu.vector_load %arg8[%swap3A_46] {strides = array<i32>} : memref<16xi32, #tpu.memory_space<vmem>>, vector<16xi32>,
      tpu.vector_store %arg8[%swap3A_46], %while3A_45 {strides = array<i32>} : memref<16xi32, #tpu.memory_space<vmem>>, vector<16xi32>,
      "tpu.region"() ({
        %run_scoped3A = tpu.sem_alloc : memref<!tpu.dma_semaphore, #tpu.memory_space<semaphore_mem>>
        %dma_start3A = arith.constant 0 : i32
        %dma_start3A_48 = tpu.memref_slice %arg4[%add3A, %dma_start3A] : memref<16x4096xi32, #tpu.memory_space<hbm>> -> memref<1x4096xi32, #tpu.memory_space<hbm>>
        %dma_start3A_49 = tpu.memref_squeeze %dma_start3A_48 : memref<1x4096xi32, #tpu.memory_space<hbm>> -> memref<4096xi32, #tpu.memory_space<hbm>>
        %dma_start3A_50 = arith.constant 0 : i32
        %dma_start3A_51 = tpu.memref_slice %arg4[%add3A, %dma_start3A_50] : memref<16x4096xi32, #tpu.memory_space<hbm>> -> memref<1x4096xi32, #tpu.memory_space<hbm>>
        %dma_start3A_52 = tpu.memref_squeeze %dma_start3A_51 : memref<1x4096xi32, #tpu.memory_space<hbm>> -> memref<4096xi32, #tpu.memory_space<hbm>>
        tpu.enqueue_dma source(%arg7 : memref<4096xi32, #tpu.memory_space<vmem>>) target(%dma_start3A_52 : memref<4096xi32, #tpu.memory_space<hbm>>) target_semaphore(%run_scoped3A : memref<!tpu.dma_semaphore, #tpu.memory_space<semaphore_mem>>)
        %dma_wait3A = arith.constant 0 : i32
        %dma_wait3A_53 = tpu.memref_slice %arg4[%add3A, %dma_wait3A] : memref<16x4096xi32, #tpu.memory_space<hbm>> -> memref<1x4096xi32, #tpu.memory_space<hbm>>
        %dma_wait3A_54 = tpu.memref_squeeze %dma_wait3A_53 : memref<1x4096xi32, #tpu.memory_space<hbm>> -> memref<4096xi32, #tpu.memory_space<hbm>>
        %dma_wait3A_55 = arith.constant 0 : i32
        %dma_wait3A_56 = tpu.memref_slice %arg4[%add3A, %dma_wait3A_55] : memref<16x4096xi32, #tpu.memory_space<hbm>> -> memref<1x4096xi32, #tpu.memory_space<hbm>>
        %dma_wait3A_57 = tpu.memref_squeeze %dma_wait3A_56 : memref<1x4096xi32, #tpu.memory_space<hbm>> -> memref<4096xi32, #tpu.memory_space<hbm>>
        tpu.wait_dma2 semaphore(%run_scoped3A : memref<!tpu.dma_semaphore, #tpu.memory_space<semaphore_mem>>) src(%arg7 : memref<4096xi32, #tpu.memory_space<vmem>>) dst(%dma_wait3A_57 : memref<4096xi32, #tpu.memory_space<hbm>>)
        tpu.yield
      }) : () -> ()
      "tpu.region"() ({
        %run_scoped3A = tpu.sem_alloc : memref<!tpu.dma_semaphore, #tpu.memory_space<semaphore_mem>>
        %dma_start3A = arith.constant 0 : i32
        %dma_start3A_48 = tpu.memref_slice %arg5[%add3A, %dma_start3A] : memref<16x16xi32, #tpu.memory_space<hbm>> -> memref<1x16xi32, #tpu.memory_space<hbm>>
        %dma_start3A_49 = tpu.memref_squeeze %dma_start3A_48 : memref<1x16xi32, #tpu.memory_space<hbm>> -> memref<16xi32, #tpu.memory_space<hbm>>
        %dma_start3A_50 = arith.constant 0 : i32
        %dma_start3A_51 = tpu.memref_slice %arg5[%add3A, %dma_start3A_50] : memref<16x16xi32, #tpu.memory_space<hbm>> -> memref<1x16xi32, #tpu.memory_space<hbm>>
        %dma_start3A_52 = tpu.memref_squeeze %dma_start3A_51 : memref<1x16xi32, #tpu.memory_space<hbm>> -> memref<16xi32, #tpu.memory_space<hbm>>
        tpu.enqueue_dma source(%arg8 : memref<16xi32, #tpu.memory_space<vmem>>) target(%dma_start3A_52 : memref<16xi32, #tpu.memory_space<hbm>>) target_semaphore(%run_scoped3A : memref<!tpu.dma_semaphore, #tpu.memory_space<semaphore_mem>>)
        %dma_wait3A = arith.constant 0 : i32
        %dma_wait3A_53 = tpu.memref_slice %arg5[%add3A, %dma_wait3A] : memref<16x16xi32, #tpu.memory_space<hbm>> -> memref<1x16xi32, #tpu.memory_space<hbm>>
        %dma_wait3A_54 = tpu.memref_squeeze %dma_wait3A_53 : memref<1x16xi32, #tpu.memory_space<hbm>> -> memref<16xi32, #tpu.memory_space<hbm>>
        %dma_wait3A_55 = arith.constant 0 : i32
        %dma_wait3A_56 = tpu.memref_slice %arg5[%add3A, %dma_wait3A_55] : memref<16x16xi32, #tpu.memory_space<hbm>> -> memref<1x16xi32, #tpu.memory_space<hbm>>
        %dma_wait3A_57 = tpu.memref_squeeze %dma_wait3A_56 : memref<1x16xi32, #tpu.memory_space<hbm>> -> memref<16xi32, #tpu.memory_space<hbm>>
        tpu.wait_dma2 semaphore(%run_scoped3A : memref<!tpu.dma_semaphore, #tpu.memory_space<semaphore_mem>>) src(%arg8 : memref<16xi32, #tpu.memory_space<vmem>>) dst(%dma_wait3A_57 : memref<16xi32, #tpu.memory_space<hbm>>)
        tpu.yield
      }) : () -> ()
    } else {
    }
    return
  }
}

module attributes {stable_mosaic.version = 14 : i64} {
  func.func @_argmax_body(%arg0: i32, %arg1: memref<128xi32, #tpu.memory_space<smem>>, %arg2: memref<1xi32, #tpu.memory_space<smem>>, %arg3: memref<16x4096x1024xf32, #tpu.memory_space<any>>, %arg4: memref<16x4096xi32, #tpu.memory_space<any>>, %arg5: memref<4x512x1024xf32, #tpu.memory_space<vmem>>, %arg6: memref<2x1x512xi32, #tpu.memory_space<vmem>>, %arg7: memref<4x!tpu.dma_semaphore, #tpu.memory_space<semaphore_mem>>, %arg8: memref<2x!tpu.dma_semaphore, #tpu.memory_space<semaphore_mem>>) attributes {dimension_semantics = [#tpu.dimension_semantics<arbitrary>], iteration_bounds = array<i64: 1>, scalar_prefetch = 2 : i64, scratch_operands = 4 : i64, tpu.core_type = #tpu.core_type<tc>, window_params = [{}, {}]} {
    %get3A = arith.constant 0 : index
    %get3A_0 = memref.load %arg2[%get3A] : memref<1xi32, #tpu.memory_space<smem>>
    %gt3A = arith.constant 0 : i32
    %gt3A_1 = arith.cmpi sgt, %get3A_0, %gt3A : i32
    %convert_element_type3A = arith.extui %gt3A_1 : i1 to i32
    %cond3A = arith.constant 0 : i32
    %cond3A_2 = arith.cmpi ne, %convert_element_type3A, %cond3A : i32
    scf.if %cond3A_2 {
      %get3A_32 = arith.constant 0 : index
      %get3A_33 = memref.load %arg1[%get3A_32] : memref<128xi32, #tpu.memory_space<smem>>
      %jit3A = arith.constant 8 : i32
      %div3A = arith.divsi %get3A_33, %jit3A : i32
      %sign3A = arith.constant 0 : i32
      %sign3A_34 = arith.cmpi sgt, %get3A_33, %sign3A : i32
      %sign3A_35 = arith.extui %sign3A_34 : i1 to i32
      %sign3A_36 = arith.constant 0 : i32
      %sign3A_37 = arith.cmpi slt, %get3A_33, %sign3A_36 : i32
      %sign3A_38 = arith.extui %sign3A_37 : i1 to i32
      %sign3A_39 = arith.subi %sign3A_35, %sign3A_38 : i32
      %sign3A_40 = arith.constant 0 : i32
      %sign3A_41 = arith.cmpi sgt, %jit3A, %sign3A_40 : i32
      %sign3A_42 = arith.extui %sign3A_41 : i1 to i32
      %sign3A_43 = arith.constant 0 : i32
      %sign3A_44 = arith.cmpi slt, %jit3A, %sign3A_43 : i32
      %sign3A_45 = arith.extui %sign3A_44 : i1 to i32
      %sign3A_46 = arith.subi %sign3A_42, %sign3A_45 : i32
      %ne3A = arith.cmpi ne, %sign3A_39, %sign3A_46 : i32
      %rem3A = arith.remsi %get3A_33, %jit3A : i32
      %ne3A_47 = arith.constant 0 : i32
      %ne3A_48 = arith.cmpi ne, %rem3A, %ne3A_47 : i32
      %and3A = arith.andi %ne3A, %ne3A_48 : i1
      %sub3A = arith.constant 1 : i32
      %sub3A_49 = arith.subi %div3A, %sub3A : i32
      %select_n3A = arith.select %and3A, %sub3A_49, %div3A : i32
      %jit3A_50 = arith.constant 8 : i32
      %eq3A = arith.constant 0 : i32
      %eq3A_51 = arith.cmpi eq, %jit3A_50, %eq3A : i32
      %jit3A_52 = arith.constant 1 : i32
      %select_n3A_53 = arith.select %eq3A_51, %jit3A_52, %jit3A_50 : i32
      %rem3A_54 = arith.remsi %get3A_33, %select_n3A_53 : i32
      %ne3A_55 = arith.constant 0 : i32
      %ne3A_56 = arith.cmpi ne, %rem3A_54, %ne3A_55 : i32
      %lt3A = arith.constant 0 : i32
      %lt3A_57 = arith.cmpi slt, %rem3A_54, %lt3A : i32
      %lt3A_58 = arith.constant 0 : i32
      %lt3A_59 = arith.cmpi slt, %select_n3A_53, %lt3A_58 : i32
      %ne3A_60 = arith.xori %lt3A_57, %lt3A_59 : i1
      %and3A_61 = arith.andi %ne3A_60, %ne3A_56 : i1
      %add3A = arith.addi %rem3A_54, %select_n3A_53 : i32
      %select_n3A_62 = arith.select %and3A_61, %add3A, %rem3A_54 : i32
      %mul3A = arith.constant 512 : i32
      %mul3A_63 = arith.muli %select_n3A_62, %mul3A : i32
      %dma_start3A = arith.constant 0 : i32
      %dma_start3A_64 = arith.constant 0 : i32
      %dma_start3A_65 = tpu.memref_slice %arg7[%dma_start3A_64] : memref<4x!tpu.dma_semaphore, #tpu.memory_space<semaphore_mem>> -> memref<1x!tpu.dma_semaphore, #tpu.memory_space<semaphore_mem>>
      %dma_start3A_66 = tpu.memref_squeeze %dma_start3A_65 : memref<1x!tpu.dma_semaphore, #tpu.memory_space<semaphore_mem>> -> memref<!tpu.dma_semaphore, #tpu.memory_space<semaphore_mem>>
      %dma_start3A_67 = arith.constant 0 : i32
      %dma_start3A_68 = arith.constant 0 : i32
      %dma_start3A_69 = tpu.memref_slice %arg5[%dma_start3A, %dma_start3A_67, %dma_start3A_68] : memref<4x512x1024xf32, #tpu.memory_space<vmem>> -> memref<1x512x1024xf32, #tpu.memory_space<vmem>>
      %dma_start3A_70 = tpu.memref_squeeze %dma_start3A_69 : memref<1x512x1024xf32, #tpu.memory_space<vmem>> -> memref<512x1024xf32, #tpu.memory_space<vmem>>
      %dma_start3A_71 = arith.constant 0 : i32
      %dma_start3A_72 = tpu.memref_slice %arg3[%select_n3A, %mul3A_63, %dma_start3A_71] : memref<16x4096x1024xf32, #tpu.memory_space<any>> -> memref<1x512x1024xf32, #tpu.memory_space<any>>
      %dma_start3A_73 = tpu.memref_squeeze %dma_start3A_72 : memref<1x512x1024xf32, #tpu.memory_space<any>> -> memref<512x1024xf32, #tpu.memory_space<any>>
      tpu.enqueue_dma source(%dma_start3A_73 : memref<512x1024xf32, #tpu.memory_space<any>>) target(%dma_start3A_70 : memref<512x1024xf32, #tpu.memory_space<vmem>>) target_semaphore(%dma_start3A_66 : memref<!tpu.dma_semaphore, #tpu.memory_space<semaphore_mem>>)
    } else {
    }
    %gt3A_3 = arith.constant 1 : i32
    %gt3A_4 = arith.cmpi sgt, %get3A_0, %gt3A_3 : i32
    %convert_element_type3A_5 = arith.extui %gt3A_4 : i1 to i32
    %cond3A_6 = arith.constant 0 : i32
    %cond3A_7 = arith.cmpi ne, %convert_element_type3A_5, %cond3A_6 : i32
    scf.if %cond3A_7 {
      %get3A_32 = arith.constant 1 : index
      %get3A_33 = memref.load %arg1[%get3A_32] : memref<128xi32, #tpu.memory_space<smem>>
      %jit3A = arith.constant 8 : i32
      %div3A = arith.divsi %get3A_33, %jit3A : i32
      %sign3A = arith.constant 0 : i32
      %sign3A_34 = arith.cmpi sgt, %get3A_33, %sign3A : i32
      %sign3A_35 = arith.extui %sign3A_34 : i1 to i32
      %sign3A_36 = arith.constant 0 : i32
      %sign3A_37 = arith.cmpi slt, %get3A_33, %sign3A_36 : i32
      %sign3A_38 = arith.extui %sign3A_37 : i1 to i32
      %sign3A_39 = arith.subi %sign3A_35, %sign3A_38 : i32
      %sign3A_40 = arith.constant 0 : i32
      %sign3A_41 = arith.cmpi sgt, %jit3A, %sign3A_40 : i32
      %sign3A_42 = arith.extui %sign3A_41 : i1 to i32
      %sign3A_43 = arith.constant 0 : i32
      %sign3A_44 = arith.cmpi slt, %jit3A, %sign3A_43 : i32
      %sign3A_45 = arith.extui %sign3A_44 : i1 to i32
      %sign3A_46 = arith.subi %sign3A_42, %sign3A_45 : i32
      %ne3A = arith.cmpi ne, %sign3A_39, %sign3A_46 : i32
      %rem3A = arith.remsi %get3A_33, %jit3A : i32
      %ne3A_47 = arith.constant 0 : i32
      %ne3A_48 = arith.cmpi ne, %rem3A, %ne3A_47 : i32
      %and3A = arith.andi %ne3A, %ne3A_48 : i1
      %sub3A = arith.constant 1 : i32
      %sub3A_49 = arith.subi %div3A, %sub3A : i32
      %select_n3A = arith.select %and3A, %sub3A_49, %div3A : i32
      %jit3A_50 = arith.constant 8 : i32
      %eq3A = arith.constant 0 : i32
      %eq3A_51 = arith.cmpi eq, %jit3A_50, %eq3A : i32
      %jit3A_52 = arith.constant 1 : i32
      %select_n3A_53 = arith.select %eq3A_51, %jit3A_52, %jit3A_50 : i32
      %rem3A_54 = arith.remsi %get3A_33, %select_n3A_53 : i32
      %ne3A_55 = arith.constant 0 : i32
      %ne3A_56 = arith.cmpi ne, %rem3A_54, %ne3A_55 : i32
      %lt3A = arith.constant 0 : i32
      %lt3A_57 = arith.cmpi slt, %rem3A_54, %lt3A : i32
      %lt3A_58 = arith.constant 0 : i32
      %lt3A_59 = arith.cmpi slt, %select_n3A_53, %lt3A_58 : i32
      %ne3A_60 = arith.xori %lt3A_57, %lt3A_59 : i1
      %and3A_61 = arith.andi %ne3A_60, %ne3A_56 : i1
      %add3A = arith.addi %rem3A_54, %select_n3A_53 : i32
      %select_n3A_62 = arith.select %and3A_61, %add3A, %rem3A_54 : i32
      %mul3A = arith.constant 512 : i32
      %mul3A_63 = arith.muli %select_n3A_62, %mul3A : i32
      %dma_start3A = arith.constant 1 : i32
      %dma_start3A_64 = arith.constant 1 : i32
      %dma_start3A_65 = tpu.memref_slice %arg7[%dma_start3A_64] : memref<4x!tpu.dma_semaphore, #tpu.memory_space<semaphore_mem>> -> memref<1x!tpu.dma_semaphore, #tpu.memory_space<semaphore_mem>>
      %dma_start3A_66 = tpu.memref_squeeze %dma_start3A_65 : memref<1x!tpu.dma_semaphore, #tpu.memory_space<semaphore_mem>> -> memref<!tpu.dma_semaphore, #tpu.memory_space<semaphore_mem>>
      %dma_start3A_67 = arith.constant 0 : i32
      %dma_start3A_68 = arith.constant 0 : i32
      %dma_start3A_69 = tpu.memref_slice %arg5[%dma_start3A, %dma_start3A_67, %dma_start3A_68] : memref<4x512x1024xf32, #tpu.memory_space<vmem>> -> memref<1x512x1024xf32, #tpu.memory_space<vmem>>
      %dma_start3A_70 = tpu.memref_squeeze %dma_start3A_69 : memref<1x512x1024xf32, #tpu.memory_space<vmem>> -> memref<512x1024xf32, #tpu.memory_space<vmem>>
      %dma_start3A_71 = arith.constant 0 : i32
      %dma_start3A_72 = tpu.memref_slice %arg3[%select_n3A, %mul3A_63, %dma_start3A_71] : memref<16x4096x1024xf32, #tpu.memory_space<any>> -> memref<1x512x1024xf32, #tpu.memory_space<any>>
      %dma_start3A_73 = tpu.memref_squeeze %dma_start3A_72 : memref<1x512x1024xf32, #tpu.memory_space<any>> -> memref<512x1024xf32, #tpu.memory_space<any>>
      tpu.enqueue_dma source(%dma_start3A_73 : memref<512x1024xf32, #tpu.memory_space<any>>) target(%dma_start3A_70 : memref<512x1024xf32, #tpu.memory_space<vmem>>) target_semaphore(%dma_start3A_66 : memref<!tpu.dma_semaphore, #tpu.memory_space<semaphore_mem>>)
    } else {
    }
    %gt3A_8 = arith.constant 2 : i32
    %gt3A_9 = arith.cmpi sgt, %get3A_0, %gt3A_8 : i32
    %convert_element_type3A_10 = arith.extui %gt3A_9 : i1 to i32
    %cond3A_11 = arith.constant 0 : i32
    %cond3A_12 = arith.cmpi ne, %convert_element_type3A_10, %cond3A_11 : i32
    scf.if %cond3A_12 {
      %get3A_32 = arith.constant 2 : index
      %get3A_33 = memref.load %arg1[%get3A_32] : memref<128xi32, #tpu.memory_space<smem>>
      %jit3A = arith.constant 8 : i32
      %div3A = arith.divsi %get3A_33, %jit3A : i32
      %sign3A = arith.constant 0 : i32
      %sign3A_34 = arith.cmpi sgt, %get3A_33, %sign3A : i32
      %sign3A_35 = arith.extui %sign3A_34 : i1 to i32
      %sign3A_36 = arith.constant 0 : i32
      %sign3A_37 = arith.cmpi slt, %get3A_33, %sign3A_36 : i32
      %sign3A_38 = arith.extui %sign3A_37 : i1 to i32
      %sign3A_39 = arith.subi %sign3A_35, %sign3A_38 : i32
      %sign3A_40 = arith.constant 0 : i32
      %sign3A_41 = arith.cmpi sgt, %jit3A, %sign3A_40 : i32
      %sign3A_42 = arith.extui %sign3A_41 : i1 to i32
      %sign3A_43 = arith.constant 0 : i32
      %sign3A_44 = arith.cmpi slt, %jit3A, %sign3A_43 : i32
      %sign3A_45 = arith.extui %sign3A_44 : i1 to i32
      %sign3A_46 = arith.subi %sign3A_42, %sign3A_45 : i32
      %ne3A = arith.cmpi ne, %sign3A_39, %sign3A_46 : i32
      %rem3A = arith.remsi %get3A_33, %jit3A : i32
      %ne3A_47 = arith.constant 0 : i32
      %ne3A_48 = arith.cmpi ne, %rem3A, %ne3A_47 : i32
      %and3A = arith.andi %ne3A, %ne3A_48 : i1
      %sub3A = arith.constant 1 : i32
      %sub3A_49 = arith.subi %div3A, %sub3A : i32
      %select_n3A = arith.select %and3A, %sub3A_49, %div3A : i32
      %jit3A_50 = arith.constant 8 : i32
      %eq3A = arith.constant 0 : i32
      %eq3A_51 = arith.cmpi eq, %jit3A_50, %eq3A : i32
      %jit3A_52 = arith.constant 1 : i32
      %select_n3A_53 = arith.select %eq3A_51, %jit3A_52, %jit3A_50 : i32
      %rem3A_54 = arith.remsi %get3A_33, %select_n3A_53 : i32
      %ne3A_55 = arith.constant 0 : i32
      %ne3A_56 = arith.cmpi ne, %rem3A_54, %ne3A_55 : i32
      %lt3A = arith.constant 0 : i32
      %lt3A_57 = arith.cmpi slt, %rem3A_54, %lt3A : i32
      %lt3A_58 = arith.constant 0 : i32
      %lt3A_59 = arith.cmpi slt, %select_n3A_53, %lt3A_58 : i32
      %ne3A_60 = arith.xori %lt3A_57, %lt3A_59 : i1
      %and3A_61 = arith.andi %ne3A_60, %ne3A_56 : i1
      %add3A = arith.addi %rem3A_54, %select_n3A_53 : i32
      %select_n3A_62 = arith.select %and3A_61, %add3A, %rem3A_54 : i32
      %mul3A = arith.constant 512 : i32
      %mul3A_63 = arith.muli %select_n3A_62, %mul3A : i32
      %dma_start3A = arith.constant 2 : i32
      %dma_start3A_64 = arith.constant 2 : i32
      %dma_start3A_65 = tpu.memref_slice %arg7[%dma_start3A_64] : memref<4x!tpu.dma_semaphore, #tpu.memory_space<semaphore_mem>> -> memref<1x!tpu.dma_semaphore, #tpu.memory_space<semaphore_mem>>
      %dma_start3A_66 = tpu.memref_squeeze %dma_start3A_65 : memref<1x!tpu.dma_semaphore, #tpu.memory_space<semaphore_mem>> -> memref<!tpu.dma_semaphore, #tpu.memory_space<semaphore_mem>>
      %dma_start3A_67 = arith.constant 0 : i32
      %dma_start3A_68 = arith.constant 0 : i32
      %dma_start3A_69 = tpu.memref_slice %arg5[%dma_start3A, %dma_start3A_67, %dma_start3A_68] : memref<4x512x1024xf32, #tpu.memory_space<vmem>> -> memref<1x512x1024xf32, #tpu.memory_space<vmem>>
      %dma_start3A_70 = tpu.memref_squeeze %dma_start3A_69 : memref<1x512x1024xf32, #tpu.memory_space<vmem>> -> memref<512x1024xf32, #tpu.memory_space<vmem>>
      %dma_start3A_71 = arith.constant 0 : i32
      %dma_start3A_72 = tpu.memref_slice %arg3[%select_n3A, %mul3A_63, %dma_start3A_71] : memref<16x4096x1024xf32, #tpu.memory_space<any>> -> memref<1x512x1024xf32, #tpu.memory_space<any>>
      %dma_start3A_73 = tpu.memref_squeeze %dma_start3A_72 : memref<1x512x1024xf32, #tpu.memory_space<any>> -> memref<512x1024xf32, #tpu.memory_space<any>>
      tpu.enqueue_dma source(%dma_start3A_73 : memref<512x1024xf32, #tpu.memory_space<any>>) target(%dma_start3A_70 : memref<512x1024xf32, #tpu.memory_space<vmem>>) target_semaphore(%dma_start3A_66 : memref<!tpu.dma_semaphore, #tpu.memory_space<semaphore_mem>>)
    } else {
    }
    %while3A = arith.constant 0 : i32
    %while3A_13 = arith.constant 0 : i32
    %while3A_14 = arith.subi %get3A_0, %while3A_13 : i32
    %while3A_15 = arith.addi %while3A_13, %while3A_14 : i32
    %while3A_16 = arith.constant 1 : i32
    %while3A_17 = arith.divsi %while3A_14, %while3A_16 : i32
    %while3A_18 = arith.muli %while3A_17, %while3A_16 : i32
    %while3A_19 = arith.addi %while3A_13, %while3A_18 : i32
    %while3A_20 = arith.constant 1 : i32
    scf.for %while3A_32 = %while3A_13 to %while3A_19 step %while3A_20  : i32 {
      %add3A = arith.constant 3 : i32
      %add3A_33 = arith.addi %while3A_32, %add3A : i32
      %lt3A = arith.cmpi slt, %add3A_33, %get3A_0 : i32
      %convert_element_type3A_34 = arith.extui %lt3A : i1 to i32
      %cond3A_35 = arith.constant 0 : i32
      %cond3A_36 = arith.cmpi ne, %convert_element_type3A_34, %cond3A_35 : i32
      scf.if %cond3A_36 {
        %add3A_246 = arith.constant 3 : i32
        %add3A_247 = arith.addi %while3A_32, %add3A_246 : i32
        %get3A_248 = arith.index_cast %add3A_247 : i32 to index
        %get3A_249 = memref.load %arg1[%get3A_248] : memref<128xi32, #tpu.memory_space<smem>>
        %jit3A_250 = arith.constant 8 : i32
        %div3A_251 = arith.divsi %get3A_249, %jit3A_250 : i32
        %sign3A_252 = arith.constant 0 : i32
        %sign3A_253 = arith.cmpi sgt, %get3A_249, %sign3A_252 : i32
        %sign3A_254 = arith.extui %sign3A_253 : i1 to i32
        %sign3A_255 = arith.constant 0 : i32
        %sign3A_256 = arith.cmpi slt, %get3A_249, %sign3A_255 : i32
        %sign3A_257 = arith.extui %sign3A_256 : i1 to i32
        %sign3A_258 = arith.subi %sign3A_254, %sign3A_257 : i32
        %sign3A_259 = arith.constant 0 : i32
        %sign3A_260 = arith.cmpi sgt, %jit3A_250, %sign3A_259 : i32
        %sign3A_261 = arith.extui %sign3A_260 : i1 to i32
        %sign3A_262 = arith.constant 0 : i32
        %sign3A_263 = arith.cmpi slt, %jit3A_250, %sign3A_262 : i32
        %sign3A_264 = arith.extui %sign3A_263 : i1 to i32
        %sign3A_265 = arith.subi %sign3A_261, %sign3A_264 : i32
        %ne3A_266 = arith.cmpi ne, %sign3A_258, %sign3A_265 : i32
        %rem3A_267 = arith.remsi %get3A_249, %jit3A_250 : i32
        %ne3A_268 = arith.constant 0 : i32
        %ne3A_269 = arith.cmpi ne, %rem3A_267, %ne3A_268 : i32
        %and3A_270 = arith.andi %ne3A_266, %ne3A_269 : i1
        %sub3A_271 = arith.constant 1 : i32
        %sub3A_272 = arith.subi %div3A_251, %sub3A_271 : i32
        %select_n3A_273 = arith.select %and3A_270, %sub3A_272, %div3A_251 : i32
        %jit3A_274 = arith.constant 8 : i32
        %eq3A_275 = arith.constant 0 : i32
        %eq3A_276 = arith.cmpi eq, %jit3A_274, %eq3A_275 : i32
        %jit3A_277 = arith.constant 1 : i32
        %select_n3A_278 = arith.select %eq3A_276, %jit3A_277, %jit3A_274 : i32
        %rem3A_279 = arith.remsi %get3A_249, %select_n3A_278 : i32
        %ne3A_280 = arith.constant 0 : i32
        %ne3A_281 = arith.cmpi ne, %rem3A_279, %ne3A_280 : i32
        %lt3A_282 = arith.constant 0 : i32
        %lt3A_283 = arith.cmpi slt, %rem3A_279, %lt3A_282 : i32
        %lt3A_284 = arith.constant 0 : i32
        %lt3A_285 = arith.cmpi slt, %select_n3A_278, %lt3A_284 : i32
        %ne3A_286 = arith.xori %lt3A_283, %lt3A_285 : i1
        %and3A_287 = arith.andi %ne3A_286, %ne3A_281 : i1
        %add3A_288 = arith.addi %rem3A_279, %select_n3A_278 : i32
        %select_n3A_289 = arith.select %and3A_287, %add3A_288, %rem3A_279 : i32
        %mul3A_290 = arith.constant 512 : i32
        %mul3A_291 = arith.muli %select_n3A_289, %mul3A_290 : i32
        %jit3A_292 = arith.constant 4 : i32
        %eq3A_293 = arith.constant 0 : i32
        %eq3A_294 = arith.cmpi eq, %jit3A_292, %eq3A_293 : i32
        %jit3A_295 = arith.constant 1 : i32
        %select_n3A_296 = arith.select %eq3A_294, %jit3A_295, %jit3A_292 : i32
        %rem3A_297 = arith.remsi %add3A_247, %select_n3A_296 : i32
        %ne3A_298 = arith.constant 0 : i32
        %ne3A_299 = arith.cmpi ne, %rem3A_297, %ne3A_298 : i32
        %lt3A_300 = arith.constant 0 : i32
        %lt3A_301 = arith.cmpi slt, %rem3A_297, %lt3A_300 : i32
        %lt3A_302 = arith.constant 0 : i32
        %lt3A_303 = arith.cmpi slt, %select_n3A_296, %lt3A_302 : i32
        %ne3A_304 = arith.xori %lt3A_301, %lt3A_303 : i1
        %and3A_305 = arith.andi %ne3A_304, %ne3A_299 : i1
        %add3A_306 = arith.addi %rem3A_297, %select_n3A_296 : i32
        %select_n3A_307 = arith.select %and3A_305, %add3A_306, %rem3A_297 : i32
        %jit3A_308 = arith.constant 4 : i32
        %eq3A_309 = arith.constant 0 : i32
        %eq3A_310 = arith.cmpi eq, %jit3A_308, %eq3A_309 : i32
        %jit3A_311 = arith.constant 1 : i32
        %select_n3A_312 = arith.select %eq3A_310, %jit3A_311, %jit3A_308 : i32
        %rem3A_313 = arith.remsi %add3A_247, %select_n3A_312 : i32
        %ne3A_314 = arith.constant 0 : i32
        %ne3A_315 = arith.cmpi ne, %rem3A_313, %ne3A_314 : i32
        %lt3A_316 = arith.constant 0 : i32
        %lt3A_317 = arith.cmpi slt, %rem3A_313, %lt3A_316 : i32
        %lt3A_318 = arith.constant 0 : i32
        %lt3A_319 = arith.cmpi slt, %select_n3A_312, %lt3A_318 : i32
        %ne3A_320 = arith.xori %lt3A_317, %lt3A_319 : i1
        %and3A_321 = arith.andi %ne3A_320, %ne3A_315 : i1
        %add3A_322 = arith.addi %rem3A_313, %select_n3A_312 : i32
        %select_n3A_323 = arith.select %and3A_321, %add3A_322, %rem3A_313 : i32
        %dma_start3A_324 = tpu.memref_slice %arg7[%select_n3A_323] : memref<4x!tpu.dma_semaphore, #tpu.memory_space<semaphore_mem>> -> memref<1x!tpu.dma_semaphore, #tpu.memory_space<semaphore_mem>>
        %dma_start3A_325 = tpu.memref_squeeze %dma_start3A_324 : memref<1x!tpu.dma_semaphore, #tpu.memory_space<semaphore_mem>> -> memref<!tpu.dma_semaphore, #tpu.memory_space<semaphore_mem>>
        %dma_start3A_326 = arith.constant 0 : i32
        %dma_start3A_327 = arith.constant 0 : i32
        %dma_start3A_328 = tpu.memref_slice %arg5[%select_n3A_307, %dma_start3A_326, %dma_start3A_327] : memref<4x512x1024xf32, #tpu.memory_space<vmem>> -> memref<1x512x1024xf32, #tpu.memory_space<vmem>>
        %dma_start3A_329 = tpu.memref_squeeze %dma_start3A_328 : memref<1x512x1024xf32, #tpu.memory_space<vmem>> -> memref<512x1024xf32, #tpu.memory_space<vmem>>
        %dma_start3A_330 = arith.constant 0 : i32
        %dma_start3A_331 = tpu.memref_slice %arg3[%select_n3A_273, %mul3A_291, %dma_start3A_330] : memref<16x4096x1024xf32, #tpu.memory_space<any>> -> memref<1x512x1024xf32, #tpu.memory_space<any>>
        %dma_start3A_332 = tpu.memref_squeeze %dma_start3A_331 : memref<1x512x1024xf32, #tpu.memory_space<any>> -> memref<512x1024xf32, #tpu.memory_space<any>>
        tpu.enqueue_dma source(%dma_start3A_332 : memref<512x1024xf32, #tpu.memory_space<any>>) target(%dma_start3A_329 : memref<512x1024xf32, #tpu.memory_space<vmem>>) target_semaphore(%dma_start3A_325 : memref<!tpu.dma_semaphore, #tpu.memory_space<semaphore_mem>>)
      } else {
      }
      %ge3A = arith.constant 2 : i32
      %ge3A_37 = arith.cmpi sge, %while3A_32, %ge3A : i32
      %convert_element_type3A_38 = arith.extui %ge3A_37 : i1 to i32
      %cond3A_39 = arith.constant 0 : i32
      %cond3A_40 = arith.cmpi ne, %convert_element_type3A_38, %cond3A_39 : i32
      scf.if %cond3A_40 {
        %jit3A_246 = arith.constant 2 : i32
        %eq3A_247 = arith.constant 0 : i32
        %eq3A_248 = arith.cmpi eq, %jit3A_246, %eq3A_247 : i32
        %jit3A_249 = arith.constant 1 : i32
        %select_n3A_250 = arith.select %eq3A_248, %jit3A_249, %jit3A_246 : i32
        %rem3A_251 = arith.remsi %while3A_32, %select_n3A_250 : i32
        %ne3A_252 = arith.constant 0 : i32
        %ne3A_253 = arith.cmpi ne, %rem3A_251, %ne3A_252 : i32
        %lt3A_254 = arith.constant 0 : i32
        %lt3A_255 = arith.cmpi slt, %rem3A_251, %lt3A_254 : i32
        %lt3A_256 = arith.constant 0 : i32
        %lt3A_257 = arith.cmpi slt, %select_n3A_250, %lt3A_256 : i32
        %ne3A_258 = arith.xori %lt3A_255, %lt3A_257 : i1
        %and3A_259 = arith.andi %ne3A_258, %ne3A_253 : i1
        %add3A_260 = arith.addi %rem3A_251, %select_n3A_250 : i32
        %select_n3A_261 = arith.select %and3A_259, %add3A_260, %rem3A_251 : i32
        %jit3A_262 = arith.constant 2 : i32
        %eq3A_263 = arith.constant 0 : i32
        %eq3A_264 = arith.cmpi eq, %jit3A_262, %eq3A_263 : i32
        %jit3A_265 = arith.constant 1 : i32
        %select_n3A_266 = arith.select %eq3A_264, %jit3A_265, %jit3A_262 : i32
        %rem3A_267 = arith.remsi %while3A_32, %select_n3A_266 : i32
        %ne3A_268 = arith.constant 0 : i32
        %ne3A_269 = arith.cmpi ne, %rem3A_267, %ne3A_268 : i32
        %lt3A_270 = arith.constant 0 : i32
        %lt3A_271 = arith.cmpi slt, %rem3A_267, %lt3A_270 : i32
        %lt3A_272 = arith.constant 0 : i32
        %lt3A_273 = arith.cmpi slt, %select_n3A_266, %lt3A_272 : i32
        %ne3A_274 = arith.xori %lt3A_271, %lt3A_273 : i1
        %and3A_275 = arith.andi %ne3A_274, %ne3A_269 : i1
        %add3A_276 = arith.addi %rem3A_267, %select_n3A_266 : i32
        %select_n3A_277 = arith.select %and3A_275, %add3A_276, %rem3A_267 : i32
        %jit3A_278 = arith.constant 2 : i32
        %eq3A_279 = arith.constant 0 : i32
        %eq3A_280 = arith.cmpi eq, %jit3A_278, %eq3A_279 : i32
        %jit3A_281 = arith.constant 1 : i32
        %select_n3A_282 = arith.select %eq3A_280, %jit3A_281, %jit3A_278 : i32
        %rem3A_283 = arith.remsi %while3A_32, %select_n3A_282 : i32
        %ne3A_284 = arith.constant 0 : i32
        %ne3A_285 = arith.cmpi ne, %rem3A_283, %ne3A_284 : i32
        %lt3A_286 = arith.constant 0 : i32
        %lt3A_287 = arith.cmpi slt, %rem3A_283, %lt3A_286 : i32
        %lt3A_288 = arith.constant 0 : i32
        %lt3A_289 = arith.cmpi slt, %select_n3A_282, %lt3A_288 : i32
        %ne3A_290 = arith.xori %lt3A_287, %lt3A_289 : i1
        %and3A_291 = arith.andi %ne3A_290, %ne3A_285 : i1
        %add3A_292 = arith.addi %rem3A_283, %select_n3A_282 : i32
        %select_n3A_293 = arith.select %and3A_291, %add3A_292, %rem3A_283 : i32
        %dma_wait3A_294 = tpu.memref_slice %arg8[%select_n3A_293] : memref<2x!tpu.dma_semaphore, #tpu.memory_space<semaphore_mem>> -> memref<1x!tpu.dma_semaphore, #tpu.memory_space<semaphore_mem>>
        %dma_wait3A_295 = tpu.memref_squeeze %dma_wait3A_294 : memref<1x!tpu.dma_semaphore, #tpu.memory_space<semaphore_mem>> -> memref<!tpu.dma_semaphore, #tpu.memory_space<semaphore_mem>>
        %dma_wait3A_296 = arith.constant 0 : i32
        %dma_wait3A_297 = arith.constant 0 : i32
        %dma_wait3A_298 = tpu.memref_slice %arg6[%select_n3A_277, %dma_wait3A_296, %dma_wait3A_297] : memref<2x1x512xi32, #tpu.memory_space<vmem>> -> memref<1x1x512xi32, #tpu.memory_space<vmem>>
        %dma_wait3A_299 = tpu.memref_squeeze %dma_wait3A_298 : memref<1x1x512xi32, #tpu.memory_space<vmem>> -> memref<1x512xi32, #tpu.memory_space<vmem>>
        %dma_wait3A_300 = arith.constant 0 : i32
        %dma_wait3A_301 = arith.constant 0 : i32
        %dma_wait3A_302 = tpu.memref_slice %arg6[%select_n3A_261, %dma_wait3A_300, %dma_wait3A_301] : memref<2x1x512xi32, #tpu.memory_space<vmem>> -> memref<1x1x512xi32, #tpu.memory_space<vmem>>
        %dma_wait3A_303 = tpu.memref_squeeze %dma_wait3A_302 : memref<1x1x512xi32, #tpu.memory_space<vmem>> -> memref<1x512xi32, #tpu.memory_space<vmem>>
        tpu.wait_dma2 semaphore(%dma_wait3A_295 : memref<!tpu.dma_semaphore, #tpu.memory_space<semaphore_mem>>) src(%dma_wait3A_303 : memref<1x512xi32, #tpu.memory_space<vmem>>) dst(%dma_wait3A_299 : memref<1x512xi32, #tpu.memory_space<vmem>>)
      } else {
      }
      %get3A_41 = arith.index_cast %while3A_32 : i32 to index
      %get3A_42 = memref.load %arg1[%get3A_41] : memref<128xi32, #tpu.memory_space<smem>>
      %jit3A = arith.constant 8 : i32
      %div3A = arith.divsi %get3A_42, %jit3A : i32
      %sign3A = arith.constant 0 : i32
      %sign3A_43 = arith.cmpi sgt, %get3A_42, %sign3A : i32
      %sign3A_44 = arith.extui %sign3A_43 : i1 to i32
      %sign3A_45 = arith.constant 0 : i32
      %sign3A_46 = arith.cmpi slt, %get3A_42, %sign3A_45 : i32
      %sign3A_47 = arith.extui %sign3A_46 : i1 to i32
      %sign3A_48 = arith.subi %sign3A_44, %sign3A_47 : i32
      %sign3A_49 = arith.constant 0 : i32
      %sign3A_50 = arith.cmpi sgt, %jit3A, %sign3A_49 : i32
      %sign3A_51 = arith.extui %sign3A_50 : i1 to i32
      %sign3A_52 = arith.constant 0 : i32
      %sign3A_53 = arith.cmpi slt, %jit3A, %sign3A_52 : i32
      %sign3A_54 = arith.extui %sign3A_53 : i1 to i32
      %sign3A_55 = arith.subi %sign3A_51, %sign3A_54 : i32
      %ne3A = arith.cmpi ne, %sign3A_48, %sign3A_55 : i32
      %rem3A = arith.remsi %get3A_42, %jit3A : i32
      %ne3A_56 = arith.constant 0 : i32
      %ne3A_57 = arith.cmpi ne, %rem3A, %ne3A_56 : i32
      %and3A = arith.andi %ne3A, %ne3A_57 : i1
      %sub3A = arith.constant 1 : i32
      %sub3A_58 = arith.subi %div3A, %sub3A : i32
      %select_n3A = arith.select %and3A, %sub3A_58, %div3A : i32
      %jit3A_59 = arith.constant 8 : i32
      %eq3A = arith.constant 0 : i32
      %eq3A_60 = arith.cmpi eq, %jit3A_59, %eq3A : i32
      %jit3A_61 = arith.constant 1 : i32
      %select_n3A_62 = arith.select %eq3A_60, %jit3A_61, %jit3A_59 : i32
      %rem3A_63 = arith.remsi %get3A_42, %select_n3A_62 : i32
      %ne3A_64 = arith.constant 0 : i32
      %ne3A_65 = arith.cmpi ne, %rem3A_63, %ne3A_64 : i32
      %lt3A_66 = arith.constant 0 : i32
      %lt3A_67 = arith.cmpi slt, %rem3A_63, %lt3A_66 : i32
      %lt3A_68 = arith.constant 0 : i32
      %lt3A_69 = arith.cmpi slt, %select_n3A_62, %lt3A_68 : i32
      %ne3A_70 = arith.xori %lt3A_67, %lt3A_69 : i1
      %and3A_71 = arith.andi %ne3A_70, %ne3A_65 : i1
      %add3A_72 = arith.addi %rem3A_63, %select_n3A_62 : i32
      %select_n3A_73 = arith.select %and3A_71, %add3A_72, %rem3A_63 : i32
      %mul3A = arith.constant 512 : i32
      %mul3A_74 = arith.muli %select_n3A_73, %mul3A : i32
      %jit3A_75 = arith.constant 4 : i32
      %eq3A_76 = arith.constant 0 : i32
      %eq3A_77 = arith.cmpi eq, %jit3A_75, %eq3A_76 : i32
      %jit3A_78 = arith.constant 1 : i32
      %select_n3A_79 = arith.select %eq3A_77, %jit3A_78, %jit3A_75 : i32
      %rem3A_80 = arith.remsi %while3A_32, %select_n3A_79 : i32
      %ne3A_81 = arith.constant 0 : i32
      %ne3A_82 = arith.cmpi ne, %rem3A_80, %ne3A_81 : i32
      %lt3A_83 = arith.constant 0 : i32
      %lt3A_84 = arith.cmpi slt, %rem3A_80, %lt3A_83 : i32
      %lt3A_85 = arith.constant 0 : i32
      %lt3A_86 = arith.cmpi slt, %select_n3A_79, %lt3A_85 : i32
      %ne3A_87 = arith.xori %lt3A_84, %lt3A_86 : i1
      %and3A_88 = arith.andi %ne3A_87, %ne3A_82 : i1
      %add3A_89 = arith.addi %rem3A_80, %select_n3A_79 : i32
      %select_n3A_90 = arith.select %and3A_88, %add3A_89, %rem3A_80 : i32
      %jit3A_91 = arith.constant 4 : i32
      %eq3A_92 = arith.constant 0 : i32
      %eq3A_93 = arith.cmpi eq, %jit3A_91, %eq3A_92 : i32
      %jit3A_94 = arith.constant 1 : i32
      %select_n3A_95 = arith.select %eq3A_93, %jit3A_94, %jit3A_91 : i32
      %rem3A_96 = arith.remsi %while3A_32, %select_n3A_95 : i32
      %ne3A_97 = arith.constant 0 : i32
      %ne3A_98 = arith.cmpi ne, %rem3A_96, %ne3A_97 : i32
      %lt3A_99 = arith.constant 0 : i32
      %lt3A_100 = arith.cmpi slt, %rem3A_96, %lt3A_99 : i32
      %lt3A_101 = arith.constant 0 : i32
      %lt3A_102 = arith.cmpi slt, %select_n3A_95, %lt3A_101 : i32
      %ne3A_103 = arith.xori %lt3A_100, %lt3A_102 : i1
      %and3A_104 = arith.andi %ne3A_103, %ne3A_98 : i1
      %add3A_105 = arith.addi %rem3A_96, %select_n3A_95 : i32
      %select_n3A_106 = arith.select %and3A_104, %add3A_105, %rem3A_96 : i32
      %dma_wait3A = tpu.memref_slice %arg7[%select_n3A_106] : memref<4x!tpu.dma_semaphore, #tpu.memory_space<semaphore_mem>> -> memref<1x!tpu.dma_semaphore, #tpu.memory_space<semaphore_mem>>
      %dma_wait3A_107 = tpu.memref_squeeze %dma_wait3A : memref<1x!tpu.dma_semaphore, #tpu.memory_space<semaphore_mem>> -> memref<!tpu.dma_semaphore, #tpu.memory_space<semaphore_mem>>
      %dma_wait3A_108 = arith.constant 0 : i32
      %dma_wait3A_109 = arith.constant 0 : i32
      %dma_wait3A_110 = tpu.memref_slice %arg5[%select_n3A_90, %dma_wait3A_108, %dma_wait3A_109] : memref<4x512x1024xf32, #tpu.memory_space<vmem>> -> memref<1x512x1024xf32, #tpu.memory_space<vmem>>
      %dma_wait3A_111 = tpu.memref_squeeze %dma_wait3A_110 : memref<1x512x1024xf32, #tpu.memory_space<vmem>> -> memref<512x1024xf32, #tpu.memory_space<vmem>>
      %dma_wait3A_112 = arith.constant 0 : i32
      %dma_wait3A_113 = tpu.memref_slice %arg3[%select_n3A, %mul3A_74, %dma_wait3A_112] : memref<16x4096x1024xf32, #tpu.memory_space<any>> -> memref<1x512x1024xf32, #tpu.memory_space<any>>
      %dma_wait3A_114 = tpu.memref_squeeze %dma_wait3A_113 : memref<1x512x1024xf32, #tpu.memory_space<any>> -> memref<512x1024xf32, #tpu.memory_space<any>>
      tpu.wait_dma2 semaphore(%dma_wait3A_107 : memref<!tpu.dma_semaphore, #tpu.memory_space<semaphore_mem>>) src(%dma_wait3A_114 : memref<512x1024xf32, #tpu.memory_space<any>>) dst(%dma_wait3A_111 : memref<512x1024xf32, #tpu.memory_space<vmem>>)
      %jit3A_115 = arith.constant 4 : i32
      %eq3A_116 = arith.constant 0 : i32
      %eq3A_117 = arith.cmpi eq, %jit3A_115, %eq3A_116 : i32
      %jit3A_118 = arith.constant 1 : i32
      %select_n3A_119 = arith.select %eq3A_117, %jit3A_118, %jit3A_115 : i32
      %rem3A_120 = arith.remsi %while3A_32, %select_n3A_119 : i32
      %ne3A_121 = arith.constant 0 : i32
      %ne3A_122 = arith.cmpi ne, %rem3A_120, %ne3A_121 : i32
      %lt3A_123 = arith.constant 0 : i32
      %lt3A_124 = arith.cmpi slt, %rem3A_120, %lt3A_123 : i32
      %lt3A_125 = arith.constant 0 : i32
      %lt3A_126 = arith.cmpi slt, %select_n3A_119, %lt3A_125 : i32
      %ne3A_127 = arith.xori %lt3A_124, %lt3A_126 : i1
      %and3A_128 = arith.andi %ne3A_127, %ne3A_122 : i1
      %add3A_129 = arith.addi %rem3A_120, %select_n3A_119 : i32
      %select_n3A_130 = arith.select %and3A_128, %add3A_129, %rem3A_120 : i32
      %get3A_131 = arith.index_cast %select_n3A_130 : i32 to index
      %get3A_132 = arith.constant 0 : index
      %get3A_133 = arith.constant 0 : index
      %get3A_134 = vector.load %arg5[%get3A_131, %get3A_132, %get3A_133] : memref<4x512x1024xf32, #tpu.memory_space<vmem>>, vector<1x512x1024xf32>
      %get3A_135 = vector.shape_cast %get3A_134 : vector<1x512x1024xf32> to vector<512x1024xf32>
      %reduce_max3A = arith.constant dense<0xFF800000> : vector<512xf32>
      %reduce_max3A_136 = vector.multi_reduction <maximumf>, %get3A_135, %reduce_max3A [1] : vector<512x1024xf32> to vector<512xf32>
      %broadcast_in_dim3A = vector.shape_cast %reduce_max3A_136 : vector<512xf32> to vector<512x1xf32>
      %iota3A = tpu.iota {dimensions = array<i32: 1>} : vector<512x1024xi32>
      %eq3A_137 = vector.broadcast %broadcast_in_dim3A : vector<512x1xf32> to vector<512x1024xf32>
      %eq3A_138 = arith.cmpf oeq, %get3A_135, %eq3A_137 : vector<512x1024xf32>
      %jit3A_139 = arith.constant 1024 : i32
      %broadcast_in_dim3A_140 = vector.broadcast %jit3A_139 : i32 to vector<512x1024xi32>
      %select_n3A_141 = arith.select %eq3A_138, %iota3A, %broadcast_in_dim3A_140 : vector<512x1024xi1>, vector<512x1024xi32>
      %reduce_min3A = arith.constant dense<2147483647> : vector<512xi32>
      %reduce_min3A_142 = vector.multi_reduction <minsi>, %select_n3A_141, %reduce_min3A [1] : vector<512x1024xi32> to vector<512xi32>
      %reshape3A = vector.shape_cast %reduce_min3A_142 : vector<512xi32> to vector<1x512xi32>
      %jit3A_143 = arith.constant 2 : i32
      %eq3A_144 = arith.constant 0 : i32
      %eq3A_145 = arith.cmpi eq, %jit3A_143, %eq3A_144 : i32
      %jit3A_146 = arith.constant 1 : i32
      %select_n3A_147 = arith.select %eq3A_145, %jit3A_146, %jit3A_143 : i32
      %rem3A_148 = arith.remsi %while3A_32, %select_n3A_147 : i32
      %ne3A_149 = arith.constant 0 : i32
      %ne3A_150 = arith.cmpi ne, %rem3A_148, %ne3A_149 : i32
      %lt3A_151 = arith.constant 0 : i32
      %lt3A_152 = arith.cmpi slt, %rem3A_148, %lt3A_151 : i32
      %lt3A_153 = arith.constant 0 : i32
      %lt3A_154 = arith.cmpi slt, %select_n3A_147, %lt3A_153 : i32
      %ne3A_155 = arith.xori %lt3A_152, %lt3A_154 : i1
      %and3A_156 = arith.andi %ne3A_155, %ne3A_150 : i1
      %add3A_157 = arith.addi %rem3A_148, %select_n3A_147 : i32
      %select_n3A_158 = arith.select %and3A_156, %add3A_157, %rem3A_148 : i32
      %swap3A = arith.index_cast %select_n3A_158 : i32 to index
      %swap3A_159 = arith.constant 0 : index
      %swap3A_160 = arith.constant 0 : index
      %swap3A_161 = vector.load %arg6[%swap3A, %swap3A_159, %swap3A_160] : memref<2x1x512xi32, #tpu.memory_space<vmem>>, vector<1x1x512xi32>
      %swap3A_162 = vector.shape_cast %swap3A_161 : vector<1x1x512xi32> to vector<1x512xi32>
      %swap3A_163 = vector.shape_cast %reshape3A : vector<1x512xi32> to vector<1x1x512xi32>
      tpu.vector_store %arg6[%swap3A, %swap3A_159, %swap3A_160], %swap3A_163 {strides = array<i32>} : memref<2x1x512xi32, #tpu.memory_space<vmem>>, vector<1x1x512xi32>,
      %get3A_164 = arith.index_cast %while3A_32 : i32 to index
      %get3A_165 = memref.load %arg1[%get3A_164] : memref<128xi32, #tpu.memory_space<smem>>
      %jit3A_166 = arith.constant 2 : i32
      %eq3A_167 = arith.constant 0 : i32
      %eq3A_168 = arith.cmpi eq, %jit3A_166, %eq3A_167 : i32
      %jit3A_169 = arith.constant 1 : i32
      %select_n3A_170 = arith.select %eq3A_168, %jit3A_169, %jit3A_166 : i32
      %rem3A_171 = arith.remsi %while3A_32, %select_n3A_170 : i32
      %ne3A_172 = arith.constant 0 : i32
      %ne3A_173 = arith.cmpi ne, %rem3A_171, %ne3A_172 : i32
      %lt3A_174 = arith.constant 0 : i32
      %lt3A_175 = arith.cmpi slt, %rem3A_171, %lt3A_174 : i32
      %lt3A_176 = arith.constant 0 : i32
      %lt3A_177 = arith.cmpi slt, %select_n3A_170, %lt3A_176 : i32
      %ne3A_178 = arith.xori %lt3A_175, %lt3A_177 : i1
      %and3A_179 = arith.andi %ne3A_178, %ne3A_173 : i1
      %add3A_180 = arith.addi %rem3A_171, %select_n3A_170 : i32
      %select_n3A_181 = arith.select %and3A_179, %add3A_180, %rem3A_171 : i32
      %jit3A_182 = arith.constant 8 : i32
      %div3A_183 = arith.divsi %get3A_165, %jit3A_182 : i32
      %sign3A_184 = arith.constant 0 : i32
      %sign3A_185 = arith.cmpi sgt, %get3A_165, %sign3A_184 : i32
      %sign3A_186 = arith.extui %sign3A_185 : i1 to i32
      %sign3A_187 = arith.constant 0 : i32
      %sign3A_188 = arith.cmpi slt, %get3A_165, %sign3A_187 : i32
      %sign3A_189 = arith.extui %sign3A_188 : i1 to i32
      %sign3A_190 = arith.subi %sign3A_186, %sign3A_189 : i32
      %sign3A_191 = arith.constant 0 : i32
      %sign3A_192 = arith.cmpi sgt, %jit3A_182, %sign3A_191 : i32
      %sign3A_193 = arith.extui %sign3A_192 : i1 to i32
      %sign3A_194 = arith.constant 0 : i32
      %sign3A_195 = arith.cmpi slt, %jit3A_182, %sign3A_194 : i32
      %sign3A_196 = arith.extui %sign3A_195 : i1 to i32
      %sign3A_197 = arith.subi %sign3A_193, %sign3A_196 : i32
      %ne3A_198 = arith.cmpi ne, %sign3A_190, %sign3A_197 : i32
      %rem3A_199 = arith.remsi %get3A_165, %jit3A_182 : i32
      %ne3A_200 = arith.constant 0 : i32
      %ne3A_201 = arith.cmpi ne, %rem3A_199, %ne3A_200 : i32
      %and3A_202 = arith.andi %ne3A_198, %ne3A_201 : i1
      %sub3A_203 = arith.constant 1 : i32
      %sub3A_204 = arith.subi %div3A_183, %sub3A_203 : i32
      %select_n3A_205 = arith.select %and3A_202, %sub3A_204, %div3A_183 : i32
      %jit3A_206 = arith.constant 8 : i32
      %eq3A_207 = arith.constant 0 : i32
      %eq3A_208 = arith.cmpi eq, %jit3A_206, %eq3A_207 : i32
      %jit3A_209 = arith.constant 1 : i32
      %select_n3A_210 = arith.select %eq3A_208, %jit3A_209, %jit3A_206 : i32
      %rem3A_211 = arith.remsi %get3A_165, %select_n3A_210 : i32
      %ne3A_212 = arith.constant 0 : i32
      %ne3A_213 = arith.cmpi ne, %rem3A_211, %ne3A_212 : i32
      %lt3A_214 = arith.constant 0 : i32
      %lt3A_215 = arith.cmpi slt, %rem3A_211, %lt3A_214 : i32
      %lt3A_216 = arith.constant 0 : i32
      %lt3A_217 = arith.cmpi slt, %select_n3A_210, %lt3A_216 : i32
      %ne3A_218 = arith.xori %lt3A_215, %lt3A_217 : i1
      %and3A_219 = arith.andi %ne3A_218, %ne3A_213 : i1
      %add3A_220 = arith.addi %rem3A_211, %select_n3A_210 : i32
      %select_n3A_221 = arith.select %and3A_219, %add3A_220, %rem3A_211 : i32
      %mul3A_222 = arith.constant 512 : i32
      %mul3A_223 = arith.muli %select_n3A_221, %mul3A_222 : i32
      %jit3A_224 = arith.constant 2 : i32
      %eq3A_225 = arith.constant 0 : i32
      %eq3A_226 = arith.cmpi eq, %jit3A_224, %eq3A_225 : i32
      %jit3A_227 = arith.constant 1 : i32
      %select_n3A_228 = arith.select %eq3A_226, %jit3A_227, %jit3A_224 : i32
      %rem3A_229 = arith.remsi %while3A_32, %select_n3A_228 : i32
      %ne3A_230 = arith.constant 0 : i32
      %ne3A_231 = arith.cmpi ne, %rem3A_229, %ne3A_230 : i32
      %lt3A_232 = arith.constant 0 : i32
      %lt3A_233 = arith.cmpi slt, %rem3A_229, %lt3A_232 : i32
      %lt3A_234 = arith.constant 0 : i32
      %lt3A_235 = arith.cmpi slt, %select_n3A_228, %lt3A_234 : i32
      %ne3A_236 = arith.xori %lt3A_233, %lt3A_235 : i1
      %and3A_237 = arith.andi %ne3A_236, %ne3A_231 : i1
      %add3A_238 = arith.addi %rem3A_229, %select_n3A_228 : i32
      %select_n3A_239 = arith.select %and3A_237, %add3A_238, %rem3A_229 : i32
      %dma_start3A = tpu.memref_slice %arg8[%select_n3A_239] : memref<2x!tpu.dma_semaphore, #tpu.memory_space<semaphore_mem>> -> memref<1x!tpu.dma_semaphore, #tpu.memory_space<semaphore_mem>>
      %dma_start3A_240 = tpu.memref_squeeze %dma_start3A : memref<1x!tpu.dma_semaphore, #tpu.memory_space<semaphore_mem>> -> memref<!tpu.dma_semaphore, #tpu.memory_space<semaphore_mem>>
      %dma_start3A_241 = tpu.memref_slice %arg4[%select_n3A_205, %mul3A_223] : memref<16x4096xi32, #tpu.memory_space<any>> -> memref<1x512xi32, #tpu.memory_space<any>>
      %dma_start3A_242 = arith.constant 0 : i32
      %dma_start3A_243 = arith.constant 0 : i32
      %dma_start3A_244 = tpu.memref_slice %arg6[%select_n3A_181, %dma_start3A_242, %dma_start3A_243] : memref<2x1x512xi32, #tpu.memory_space<vmem>> -> memref<1x1x512xi32, #tpu.memory_space<vmem>>
      %dma_start3A_245 = tpu.memref_squeeze %dma_start3A_244 : memref<1x1x512xi32, #tpu.memory_space<vmem>> -> memref<1x512xi32, #tpu.memory_space<vmem>>
      tpu.enqueue_dma source(%dma_start3A_245 : memref<1x512xi32, #tpu.memory_space<vmem>>) target(%dma_start3A_241 : memref<1x512xi32, #tpu.memory_space<any>>) target_semaphore(%dma_start3A_240 : memref<!tpu.dma_semaphore, #tpu.memory_space<semaphore_mem>>)
    }
    %while3A_21 = arith.constant 1 : i32
    scf.for %while3A_32 = %while3A_19 to %while3A_15 step %while3A_21  : i32 {
      %add3A = arith.constant 3 : i32
      %add3A_33 = arith.addi %while3A_32, %add3A : i32
      %lt3A = arith.cmpi slt, %add3A_33, %get3A_0 : i32
      %convert_element_type3A_34 = arith.extui %lt3A : i1 to i32
      %cond3A_35 = arith.constant 0 : i32
      %cond3A_36 = arith.cmpi ne, %convert_element_type3A_34, %cond3A_35 : i32
      scf.if %cond3A_36 {
        %add3A_246 = arith.constant 3 : i32
        %add3A_247 = arith.addi %while3A_32, %add3A_246 : i32
        %get3A_248 = arith.index_cast %add3A_247 : i32 to index
        %get3A_249 = memref.load %arg1[%get3A_248] : memref<128xi32, #tpu.memory_space<smem>>
        %jit3A_250 = arith.constant 8 : i32
        %div3A_251 = arith.divsi %get3A_249, %jit3A_250 : i32
        %sign3A_252 = arith.constant 0 : i32
        %sign3A_253 = arith.cmpi sgt, %get3A_249, %sign3A_252 : i32
        %sign3A_254 = arith.extui %sign3A_253 : i1 to i32
        %sign3A_255 = arith.constant 0 : i32
        %sign3A_256 = arith.cmpi slt, %get3A_249, %sign3A_255 : i32
        %sign3A_257 = arith.extui %sign3A_256 : i1 to i32
        %sign3A_258 = arith.subi %sign3A_254, %sign3A_257 : i32
        %sign3A_259 = arith.constant 0 : i32
        %sign3A_260 = arith.cmpi sgt, %jit3A_250, %sign3A_259 : i32
        %sign3A_261 = arith.extui %sign3A_260 : i1 to i32
        %sign3A_262 = arith.constant 0 : i32
        %sign3A_263 = arith.cmpi slt, %jit3A_250, %sign3A_262 : i32
        %sign3A_264 = arith.extui %sign3A_263 : i1 to i32
        %sign3A_265 = arith.subi %sign3A_261, %sign3A_264 : i32
        %ne3A_266 = arith.cmpi ne, %sign3A_258, %sign3A_265 : i32
        %rem3A_267 = arith.remsi %get3A_249, %jit3A_250 : i32
        %ne3A_268 = arith.constant 0 : i32
        %ne3A_269 = arith.cmpi ne, %rem3A_267, %ne3A_268 : i32
        %and3A_270 = arith.andi %ne3A_266, %ne3A_269 : i1
        %sub3A_271 = arith.constant 1 : i32
        %sub3A_272 = arith.subi %div3A_251, %sub3A_271 : i32
        %select_n3A_273 = arith.select %and3A_270, %sub3A_272, %div3A_251 : i32
        %jit3A_274 = arith.constant 8 : i32
        %eq3A_275 = arith.constant 0 : i32
        %eq3A_276 = arith.cmpi eq, %jit3A_274, %eq3A_275 : i32
        %jit3A_277 = arith.constant 1 : i32
        %select_n3A_278 = arith.select %eq3A_276, %jit3A_277, %jit3A_274 : i32
        %rem3A_279 = arith.remsi %get3A_249, %select_n3A_278 : i32
        %ne3A_280 = arith.constant 0 : i32
        %ne3A_281 = arith.cmpi ne, %rem3A_279, %ne3A_280 : i32
        %lt3A_282 = arith.constant 0 : i32
        %lt3A_283 = arith.cmpi slt, %rem3A_279, %lt3A_282 : i32
        %lt3A_284 = arith.constant 0 : i32
        %lt3A_285 = arith.cmpi slt, %select_n3A_278, %lt3A_284 : i32
        %ne3A_286 = arith.xori %lt3A_283, %lt3A_285 : i1
        %and3A_287 = arith.andi %ne3A_286, %ne3A_281 : i1
        %add3A_288 = arith.addi %rem3A_279, %select_n3A_278 : i32
        %select_n3A_289 = arith.select %and3A_287, %add3A_288, %rem3A_279 : i32
        %mul3A_290 = arith.constant 512 : i32
        %mul3A_291 = arith.muli %select_n3A_289, %mul3A_290 : i32
        %jit3A_292 = arith.constant 4 : i32
        %eq3A_293 = arith.constant 0 : i32
        %eq3A_294 = arith.cmpi eq, %jit3A_292, %eq3A_293 : i32
        %jit3A_295 = arith.constant 1 : i32
        %select_n3A_296 = arith.select %eq3A_294, %jit3A_295, %jit3A_292 : i32
        %rem3A_297 = arith.remsi %add3A_247, %select_n3A_296 : i32
        %ne3A_298 = arith.constant 0 : i32
        %ne3A_299 = arith.cmpi ne, %rem3A_297, %ne3A_298 : i32
        %lt3A_300 = arith.constant 0 : i32
        %lt3A_301 = arith.cmpi slt, %rem3A_297, %lt3A_300 : i32
        %lt3A_302 = arith.constant 0 : i32
        %lt3A_303 = arith.cmpi slt, %select_n3A_296, %lt3A_302 : i32
        %ne3A_304 = arith.xori %lt3A_301, %lt3A_303 : i1
        %and3A_305 = arith.andi %ne3A_304, %ne3A_299 : i1
        %add3A_306 = arith.addi %rem3A_297, %select_n3A_296 : i32
        %select_n3A_307 = arith.select %and3A_305, %add3A_306, %rem3A_297 : i32
        %jit3A_308 = arith.constant 4 : i32
        %eq3A_309 = arith.constant 0 : i32
        %eq3A_310 = arith.cmpi eq, %jit3A_308, %eq3A_309 : i32
        %jit3A_311 = arith.constant 1 : i32
        %select_n3A_312 = arith.select %eq3A_310, %jit3A_311, %jit3A_308 : i32
        %rem3A_313 = arith.remsi %add3A_247, %select_n3A_312 : i32
        %ne3A_314 = arith.constant 0 : i32
        %ne3A_315 = arith.cmpi ne, %rem3A_313, %ne3A_314 : i32
        %lt3A_316 = arith.constant 0 : i32
        %lt3A_317 = arith.cmpi slt, %rem3A_313, %lt3A_316 : i32
        %lt3A_318 = arith.constant 0 : i32
        %lt3A_319 = arith.cmpi slt, %select_n3A_312, %lt3A_318 : i32
        %ne3A_320 = arith.xori %lt3A_317, %lt3A_319 : i1
        %and3A_321 = arith.andi %ne3A_320, %ne3A_315 : i1
        %add3A_322 = arith.addi %rem3A_313, %select_n3A_312 : i32
        %select_n3A_323 = arith.select %and3A_321, %add3A_322, %rem3A_313 : i32
        %dma_start3A_324 = tpu.memref_slice %arg7[%select_n3A_323] : memref<4x!tpu.dma_semaphore, #tpu.memory_space<semaphore_mem>> -> memref<1x!tpu.dma_semaphore, #tpu.memory_space<semaphore_mem>>
        %dma_start3A_325 = tpu.memref_squeeze %dma_start3A_324 : memref<1x!tpu.dma_semaphore, #tpu.memory_space<semaphore_mem>> -> memref<!tpu.dma_semaphore, #tpu.memory_space<semaphore_mem>>
        %dma_start3A_326 = arith.constant 0 : i32
        %dma_start3A_327 = arith.constant 0 : i32
        %dma_start3A_328 = tpu.memref_slice %arg5[%select_n3A_307, %dma_start3A_326, %dma_start3A_327] : memref<4x512x1024xf32, #tpu.memory_space<vmem>> -> memref<1x512x1024xf32, #tpu.memory_space<vmem>>
        %dma_start3A_329 = tpu.memref_squeeze %dma_start3A_328 : memref<1x512x1024xf32, #tpu.memory_space<vmem>> -> memref<512x1024xf32, #tpu.memory_space<vmem>>
        %dma_start3A_330 = arith.constant 0 : i32
        %dma_start3A_331 = tpu.memref_slice %arg3[%select_n3A_273, %mul3A_291, %dma_start3A_330] : memref<16x4096x1024xf32, #tpu.memory_space<any>> -> memref<1x512x1024xf32, #tpu.memory_space<any>>
        %dma_start3A_332 = tpu.memref_squeeze %dma_start3A_331 : memref<1x512x1024xf32, #tpu.memory_space<any>> -> memref<512x1024xf32, #tpu.memory_space<any>>
        tpu.enqueue_dma source(%dma_start3A_332 : memref<512x1024xf32, #tpu.memory_space<any>>) target(%dma_start3A_329 : memref<512x1024xf32, #tpu.memory_space<vmem>>) target_semaphore(%dma_start3A_325 : memref<!tpu.dma_semaphore, #tpu.memory_space<semaphore_mem>>)
      } else {
      }
      %ge3A = arith.constant 2 : i32
      %ge3A_37 = arith.cmpi sge, %while3A_32, %ge3A : i32
      %convert_element_type3A_38 = arith.extui %ge3A_37 : i1 to i32
      %cond3A_39 = arith.constant 0 : i32
      %cond3A_40 = arith.cmpi ne, %convert_element_type3A_38, %cond3A_39 : i32
      scf.if %cond3A_40 {
        %jit3A_246 = arith.constant 2 : i32
        %eq3A_247 = arith.constant 0 : i32
        %eq3A_248 = arith.cmpi eq, %jit3A_246, %eq3A_247 : i32
        %jit3A_249 = arith.constant 1 : i32
        %select_n3A_250 = arith.select %eq3A_248, %jit3A_249, %jit3A_246 : i32
        %rem3A_251 = arith.remsi %while3A_32, %select_n3A_250 : i32
        %ne3A_252 = arith.constant 0 : i32
        %ne3A_253 = arith.cmpi ne, %rem3A_251, %ne3A_252 : i32
        %lt3A_254 = arith.constant 0 : i32
        %lt3A_255 = arith.cmpi slt, %rem3A_251, %lt3A_254 : i32
        %lt3A_256 = arith.constant 0 : i32
        %lt3A_257 = arith.cmpi slt, %select_n3A_250, %lt3A_256 : i32
        %ne3A_258 = arith.xori %lt3A_255, %lt3A_257 : i1
        %and3A_259 = arith.andi %ne3A_258, %ne3A_253 : i1
        %add3A_260 = arith.addi %rem3A_251, %select_n3A_250 : i32
        %select_n3A_261 = arith.select %and3A_259, %add3A_260, %rem3A_251 : i32
        %jit3A_262 = arith.constant 2 : i32
        %eq3A_263 = arith.constant 0 : i32
        %eq3A_264 = arith.cmpi eq, %jit3A_262, %eq3A_263 : i32
        %jit3A_265 = arith.constant 1 : i32
        %select_n3A_266 = arith.select %eq3A_264, %jit3A_265, %jit3A_262 : i32
        %rem3A_267 = arith.remsi %while3A_32, %select_n3A_266 : i32
        %ne3A_268 = arith.constant 0 : i32
        %ne3A_269 = arith.cmpi ne, %rem3A_267, %ne3A_268 : i32
        %lt3A_270 = arith.constant 0 : i32
        %lt3A_271 = arith.cmpi slt, %rem3A_267, %lt3A_270 : i32
        %lt3A_272 = arith.constant 0 : i32
        %lt3A_273 = arith.cmpi slt, %select_n3A_266, %lt3A_272 : i32
        %ne3A_274 = arith.xori %lt3A_271, %lt3A_273 : i1
        %and3A_275 = arith.andi %ne3A_274, %ne3A_269 : i1
        %add3A_276 = arith.addi %rem3A_267, %select_n3A_266 : i32
        %select_n3A_277 = arith.select %and3A_275, %add3A_276, %rem3A_267 : i32
        %jit3A_278 = arith.constant 2 : i32
        %eq3A_279 = arith.constant 0 : i32
        %eq3A_280 = arith.cmpi eq, %jit3A_278, %eq3A_279 : i32
        %jit3A_281 = arith.constant 1 : i32
        %select_n3A_282 = arith.select %eq3A_280, %jit3A_281, %jit3A_278 : i32
        %rem3A_283 = arith.remsi %while3A_32, %select_n3A_282 : i32
        %ne3A_284 = arith.constant 0 : i32
        %ne3A_285 = arith.cmpi ne, %rem3A_283, %ne3A_284 : i32
        %lt3A_286 = arith.constant 0 : i32
        %lt3A_287 = arith.cmpi slt, %rem3A_283, %lt3A_286 : i32
        %lt3A_288 = arith.constant 0 : i32
        %lt3A_289 = arith.cmpi slt, %select_n3A_282, %lt3A_288 : i32
        %ne3A_290 = arith.xori %lt3A_287, %lt3A_289 : i1
        %and3A_291 = arith.andi %ne3A_290, %ne3A_285 : i1
        %add3A_292 = arith.addi %rem3A_283, %select_n3A_282 : i32
        %select_n3A_293 = arith.select %and3A_291, %add3A_292, %rem3A_283 : i32
        %dma_wait3A_294 = tpu.memref_slice %arg8[%select_n3A_293] : memref<2x!tpu.dma_semaphore, #tpu.memory_space<semaphore_mem>> -> memref<1x!tpu.dma_semaphore, #tpu.memory_space<semaphore_mem>>
        %dma_wait3A_295 = tpu.memref_squeeze %dma_wait3A_294 : memref<1x!tpu.dma_semaphore, #tpu.memory_space<semaphore_mem>> -> memref<!tpu.dma_semaphore, #tpu.memory_space<semaphore_mem>>
        %dma_wait3A_296 = arith.constant 0 : i32
        %dma_wait3A_297 = arith.constant 0 : i32
        %dma_wait3A_298 = tpu.memref_slice %arg6[%select_n3A_277, %dma_wait3A_296, %dma_wait3A_297] : memref<2x1x512xi32, #tpu.memory_space<vmem>> -> memref<1x1x512xi32, #tpu.memory_space<vmem>>
        %dma_wait3A_299 = tpu.memref_squeeze %dma_wait3A_298 : memref<1x1x512xi32, #tpu.memory_space<vmem>> -> memref<1x512xi32, #tpu.memory_space<vmem>>
        %dma_wait3A_300 = arith.constant 0 : i32
        %dma_wait3A_301 = arith.constant 0 : i32
        %dma_wait3A_302 = tpu.memref_slice %arg6[%select_n3A_261, %dma_wait3A_300, %dma_wait3A_301] : memref<2x1x512xi32, #tpu.memory_space<vmem>> -> memref<1x1x512xi32, #tpu.memory_space<vmem>>
        %dma_wait3A_303 = tpu.memref_squeeze %dma_wait3A_302 : memref<1x1x512xi32, #tpu.memory_space<vmem>> -> memref<1x512xi32, #tpu.memory_space<vmem>>
        tpu.wait_dma2 semaphore(%dma_wait3A_295 : memref<!tpu.dma_semaphore, #tpu.memory_space<semaphore_mem>>) src(%dma_wait3A_303 : memref<1x512xi32, #tpu.memory_space<vmem>>) dst(%dma_wait3A_299 : memref<1x512xi32, #tpu.memory_space<vmem>>)
      } else {
      }
      %get3A_41 = arith.index_cast %while3A_32 : i32 to index
      %get3A_42 = memref.load %arg1[%get3A_41] : memref<128xi32, #tpu.memory_space<smem>>
      %jit3A = arith.constant 8 : i32
      %div3A = arith.divsi %get3A_42, %jit3A : i32
      %sign3A = arith.constant 0 : i32
      %sign3A_43 = arith.cmpi sgt, %get3A_42, %sign3A : i32
      %sign3A_44 = arith.extui %sign3A_43 : i1 to i32
      %sign3A_45 = arith.constant 0 : i32
      %sign3A_46 = arith.cmpi slt, %get3A_42, %sign3A_45 : i32
      %sign3A_47 = arith.extui %sign3A_46 : i1 to i32
      %sign3A_48 = arith.subi %sign3A_44, %sign3A_47 : i32
      %sign3A_49 = arith.constant 0 : i32
      %sign3A_50 = arith.cmpi sgt, %jit3A, %sign3A_49 : i32
      %sign3A_51 = arith.extui %sign3A_50 : i1 to i32
      %sign3A_52 = arith.constant 0 : i32
      %sign3A_53 = arith.cmpi slt, %jit3A, %sign3A_52 : i32
      %sign3A_54 = arith.extui %sign3A_53 : i1 to i32
      %sign3A_55 = arith.subi %sign3A_51, %sign3A_54 : i32
      %ne3A = arith.cmpi ne, %sign3A_48, %sign3A_55 : i32
      %rem3A = arith.remsi %get3A_42, %jit3A : i32
      %ne3A_56 = arith.constant 0 : i32
      %ne3A_57 = arith.cmpi ne, %rem3A, %ne3A_56 : i32
      %and3A = arith.andi %ne3A, %ne3A_57 : i1
      %sub3A = arith.constant 1 : i32
      %sub3A_58 = arith.subi %div3A, %sub3A : i32
      %select_n3A = arith.select %and3A, %sub3A_58, %div3A : i32
      %jit3A_59 = arith.constant 8 : i32
      %eq3A = arith.constant 0 : i32
      %eq3A_60 = arith.cmpi eq, %jit3A_59, %eq3A : i32
      %jit3A_61 = arith.constant 1 : i32
      %select_n3A_62 = arith.select %eq3A_60, %jit3A_61, %jit3A_59 : i32
      %rem3A_63 = arith.remsi %get3A_42, %select_n3A_62 : i32
      %ne3A_64 = arith.constant 0 : i32
      %ne3A_65 = arith.cmpi ne, %rem3A_63, %ne3A_64 : i32
      %lt3A_66 = arith.constant 0 : i32
      %lt3A_67 = arith.cmpi slt, %rem3A_63, %lt3A_66 : i32
      %lt3A_68 = arith.constant 0 : i32
      %lt3A_69 = arith.cmpi slt, %select_n3A_62, %lt3A_68 : i32
      %ne3A_70 = arith.xori %lt3A_67, %lt3A_69 : i1
      %and3A_71 = arith.andi %ne3A_70, %ne3A_65 : i1
      %add3A_72 = arith.addi %rem3A_63, %select_n3A_62 : i32
      %select_n3A_73 = arith.select %and3A_71, %add3A_72, %rem3A_63 : i32
      %mul3A = arith.constant 512 : i32
      %mul3A_74 = arith.muli %select_n3A_73, %mul3A : i32
      %jit3A_75 = arith.constant 4 : i32
      %eq3A_76 = arith.constant 0 : i32
      %eq3A_77 = arith.cmpi eq, %jit3A_75, %eq3A_76 : i32
      %jit3A_78 = arith.constant 1 : i32
      %select_n3A_79 = arith.select %eq3A_77, %jit3A_78, %jit3A_75 : i32
      %rem3A_80 = arith.remsi %while3A_32, %select_n3A_79 : i32
      %ne3A_81 = arith.constant 0 : i32
      %ne3A_82 = arith.cmpi ne, %rem3A_80, %ne3A_81 : i32
      %lt3A_83 = arith.constant 0 : i32
      %lt3A_84 = arith.cmpi slt, %rem3A_80, %lt3A_83 : i32
      %lt3A_85 = arith.constant 0 : i32
      %lt3A_86 = arith.cmpi slt, %select_n3A_79, %lt3A_85 : i32
      %ne3A_87 = arith.xori %lt3A_84, %lt3A_86 : i1
      %and3A_88 = arith.andi %ne3A_87, %ne3A_82 : i1
      %add3A_89 = arith.addi %rem3A_80, %select_n3A_79 : i32
      %select_n3A_90 = arith.select %and3A_88, %add3A_89, %rem3A_80 : i32
      %jit3A_91 = arith.constant 4 : i32
      %eq3A_92 = arith.constant 0 : i32
      %eq3A_93 = arith.cmpi eq, %jit3A_91, %eq3A_92 : i32
      %jit3A_94 = arith.constant 1 : i32
      %select_n3A_95 = arith.select %eq3A_93, %jit3A_94, %jit3A_91 : i32
      %rem3A_96 = arith.remsi %while3A_32, %select_n3A_95 : i32
      %ne3A_97 = arith.constant 0 : i32
      %ne3A_98 = arith.cmpi ne, %rem3A_96, %ne3A_97 : i32
      %lt3A_99 = arith.constant 0 : i32
      %lt3A_100 = arith.cmpi slt, %rem3A_96, %lt3A_99 : i32
      %lt3A_101 = arith.constant 0 : i32
      %lt3A_102 = arith.cmpi slt, %select_n3A_95, %lt3A_101 : i32
      %ne3A_103 = arith.xori %lt3A_100, %lt3A_102 : i1
      %and3A_104 = arith.andi %ne3A_103, %ne3A_98 : i1
      %add3A_105 = arith.addi %rem3A_96, %select_n3A_95 : i32
      %select_n3A_106 = arith.select %and3A_104, %add3A_105, %rem3A_96 : i32
      %dma_wait3A = tpu.memref_slice %arg7[%select_n3A_106] : memref<4x!tpu.dma_semaphore, #tpu.memory_space<semaphore_mem>> -> memref<1x!tpu.dma_semaphore, #tpu.memory_space<semaphore_mem>>
      %dma_wait3A_107 = tpu.memref_squeeze %dma_wait3A : memref<1x!tpu.dma_semaphore, #tpu.memory_space<semaphore_mem>> -> memref<!tpu.dma_semaphore, #tpu.memory_space<semaphore_mem>>
      %dma_wait3A_108 = arith.constant 0 : i32
      %dma_wait3A_109 = arith.constant 0 : i32
      %dma_wait3A_110 = tpu.memref_slice %arg5[%select_n3A_90, %dma_wait3A_108, %dma_wait3A_109] : memref<4x512x1024xf32, #tpu.memory_space<vmem>> -> memref<1x512x1024xf32, #tpu.memory_space<vmem>>
      %dma_wait3A_111 = tpu.memref_squeeze %dma_wait3A_110 : memref<1x512x1024xf32, #tpu.memory_space<vmem>> -> memref<512x1024xf32, #tpu.memory_space<vmem>>
      %dma_wait3A_112 = arith.constant 0 : i32
      %dma_wait3A_113 = tpu.memref_slice %arg3[%select_n3A, %mul3A_74, %dma_wait3A_112] : memref<16x4096x1024xf32, #tpu.memory_space<any>> -> memref<1x512x1024xf32, #tpu.memory_space<any>>
      %dma_wait3A_114 = tpu.memref_squeeze %dma_wait3A_113 : memref<1x512x1024xf32, #tpu.memory_space<any>> -> memref<512x1024xf32, #tpu.memory_space<any>>
      tpu.wait_dma2 semaphore(%dma_wait3A_107 : memref<!tpu.dma_semaphore, #tpu.memory_space<semaphore_mem>>) src(%dma_wait3A_114 : memref<512x1024xf32, #tpu.memory_space<any>>) dst(%dma_wait3A_111 : memref<512x1024xf32, #tpu.memory_space<vmem>>)
      %jit3A_115 = arith.constant 4 : i32
      %eq3A_116 = arith.constant 0 : i32
      %eq3A_117 = arith.cmpi eq, %jit3A_115, %eq3A_116 : i32
      %jit3A_118 = arith.constant 1 : i32
      %select_n3A_119 = arith.select %eq3A_117, %jit3A_118, %jit3A_115 : i32
      %rem3A_120 = arith.remsi %while3A_32, %select_n3A_119 : i32
      %ne3A_121 = arith.constant 0 : i32
      %ne3A_122 = arith.cmpi ne, %rem3A_120, %ne3A_121 : i32
      %lt3A_123 = arith.constant 0 : i32
      %lt3A_124 = arith.cmpi slt, %rem3A_120, %lt3A_123 : i32
      %lt3A_125 = arith.constant 0 : i32
      %lt3A_126 = arith.cmpi slt, %select_n3A_119, %lt3A_125 : i32
      %ne3A_127 = arith.xori %lt3A_124, %lt3A_126 : i1
      %and3A_128 = arith.andi %ne3A_127, %ne3A_122 : i1
      %add3A_129 = arith.addi %rem3A_120, %select_n3A_119 : i32
      %select_n3A_130 = arith.select %and3A_128, %add3A_129, %rem3A_120 : i32
      %get3A_131 = arith.index_cast %select_n3A_130 : i32 to index
      %get3A_132 = arith.constant 0 : index
      %get3A_133 = arith.constant 0 : index
      %get3A_134 = vector.load %arg5[%get3A_131, %get3A_132, %get3A_133] : memref<4x512x1024xf32, #tpu.memory_space<vmem>>, vector<1x512x1024xf32>
      %get3A_135 = vector.shape_cast %get3A_134 : vector<1x512x1024xf32> to vector<512x1024xf32>
      %reduce_max3A = arith.constant dense<0xFF800000> : vector<512xf32>
      %reduce_max3A_136 = vector.multi_reduction <maximumf>, %get3A_135, %reduce_max3A [1] : vector<512x1024xf32> to vector<512xf32>
      %broadcast_in_dim3A = vector.shape_cast %reduce_max3A_136 : vector<512xf32> to vector<512x1xf32>
      %iota3A = tpu.iota {dimensions = array<i32: 1>} : vector<512x1024xi32>
      %eq3A_137 = vector.broadcast %broadcast_in_dim3A : vector<512x1xf32> to vector<512x1024xf32>
      %eq3A_138 = arith.cmpf oeq, %get3A_135, %eq3A_137 : vector<512x1024xf32>
      %jit3A_139 = arith.constant 1024 : i32
      %broadcast_in_dim3A_140 = vector.broadcast %jit3A_139 : i32 to vector<512x1024xi32>
      %select_n3A_141 = arith.select %eq3A_138, %iota3A, %broadcast_in_dim3A_140 : vector<512x1024xi1>, vector<512x1024xi32>
      %reduce_min3A = arith.constant dense<2147483647> : vector<512xi32>
      %reduce_min3A_142 = vector.multi_reduction <minsi>, %select_n3A_141, %reduce_min3A [1] : vector<512x1024xi32> to vector<512xi32>
      %reshape3A = vector.shape_cast %reduce_min3A_142 : vector<512xi32> to vector<1x512xi32>
      %jit3A_143 = arith.constant 2 : i32
      %eq3A_144 = arith.constant 0 : i32
      %eq3A_145 = arith.cmpi eq, %jit3A_143, %eq3A_144 : i32
      %jit3A_146 = arith.constant 1 : i32
      %select_n3A_147 = arith.select %eq3A_145, %jit3A_146, %jit3A_143 : i32
      %rem3A_148 = arith.remsi %while3A_32, %select_n3A_147 : i32
      %ne3A_149 = arith.constant 0 : i32
      %ne3A_150 = arith.cmpi ne, %rem3A_148, %ne3A_149 : i32
      %lt3A_151 = arith.constant 0 : i32
      %lt3A_152 = arith.cmpi slt, %rem3A_148, %lt3A_151 : i32
      %lt3A_153 = arith.constant 0 : i32
      %lt3A_154 = arith.cmpi slt, %select_n3A_147, %lt3A_153 : i32
      %ne3A_155 = arith.xori %lt3A_152, %lt3A_154 : i1
      %and3A_156 = arith.andi %ne3A_155, %ne3A_150 : i1
      %add3A_157 = arith.addi %rem3A_148, %select_n3A_147 : i32
      %select_n3A_158 = arith.select %and3A_156, %add3A_157, %rem3A_148 : i32
      %swap3A = arith.index_cast %select_n3A_158 : i32 to index
      %swap3A_159 = arith.constant 0 : index
      %swap3A_160 = arith.constant 0 : index
      %swap3A_161 = vector.load %arg6[%swap3A, %swap3A_159, %swap3A_160] : memref<2x1x512xi32, #tpu.memory_space<vmem>>, vector<1x1x512xi32>
      %swap3A_162 = vector.shape_cast %swap3A_161 : vector<1x1x512xi32> to vector<1x512xi32>
      %swap3A_163 = vector.shape_cast %reshape3A : vector<1x512xi32> to vector<1x1x512xi32>
      tpu.vector_store %arg6[%swap3A, %swap3A_159, %swap3A_160], %swap3A_163 {strides = array<i32>} : memref<2x1x512xi32, #tpu.memory_space<vmem>>, vector<1x1x512xi32>,
      %get3A_164 = arith.index_cast %while3A_32 : i32 to index
      %get3A_165 = memref.load %arg1[%get3A_164] : memref<128xi32, #tpu.memory_space<smem>>
      %jit3A_166 = arith.constant 2 : i32
      %eq3A_167 = arith.constant 0 : i32
      %eq3A_168 = arith.cmpi eq, %jit3A_166, %eq3A_167 : i32
      %jit3A_169 = arith.constant 1 : i32
      %select_n3A_170 = arith.select %eq3A_168, %jit3A_169, %jit3A_166 : i32
      %rem3A_171 = arith.remsi %while3A_32, %select_n3A_170 : i32
      %ne3A_172 = arith.constant 0 : i32
      %ne3A_173 = arith.cmpi ne, %rem3A_171, %ne3A_172 : i32
      %lt3A_174 = arith.constant 0 : i32
      %lt3A_175 = arith.cmpi slt, %rem3A_171, %lt3A_174 : i32
      %lt3A_176 = arith.constant 0 : i32
      %lt3A_177 = arith.cmpi slt, %select_n3A_170, %lt3A_176 : i32
      %ne3A_178 = arith.xori %lt3A_175, %lt3A_177 : i1
      %and3A_179 = arith.andi %ne3A_178, %ne3A_173 : i1
      %add3A_180 = arith.addi %rem3A_171, %select_n3A_170 : i32
      %select_n3A_181 = arith.select %and3A_179, %add3A_180, %rem3A_171 : i32
      %jit3A_182 = arith.constant 8 : i32
      %div3A_183 = arith.divsi %get3A_165, %jit3A_182 : i32
      %sign3A_184 = arith.constant 0 : i32
      %sign3A_185 = arith.cmpi sgt, %get3A_165, %sign3A_184 : i32
      %sign3A_186 = arith.extui %sign3A_185 : i1 to i32
      %sign3A_187 = arith.constant 0 : i32
      %sign3A_188 = arith.cmpi slt, %get3A_165, %sign3A_187 : i32
      %sign3A_189 = arith.extui %sign3A_188 : i1 to i32
      %sign3A_190 = arith.subi %sign3A_186, %sign3A_189 : i32
      %sign3A_191 = arith.constant 0 : i32
      %sign3A_192 = arith.cmpi sgt, %jit3A_182, %sign3A_191 : i32
      %sign3A_193 = arith.extui %sign3A_192 : i1 to i32
      %sign3A_194 = arith.constant 0 : i32
      %sign3A_195 = arith.cmpi slt, %jit3A_182, %sign3A_194 : i32
      %sign3A_196 = arith.extui %sign3A_195 : i1 to i32
      %sign3A_197 = arith.subi %sign3A_193, %sign3A_196 : i32
      %ne3A_198 = arith.cmpi ne, %sign3A_190, %sign3A_197 : i32
      %rem3A_199 = arith.remsi %get3A_165, %jit3A_182 : i32
      %ne3A_200 = arith.constant 0 : i32
      %ne3A_201 = arith.cmpi ne, %rem3A_199, %ne3A_200 : i32
      %and3A_202 = arith.andi %ne3A_198, %ne3A_201 : i1
      %sub3A_203 = arith.constant 1 : i32
      %sub3A_204 = arith.subi %div3A_183, %sub3A_203 : i32
      %select_n3A_205 = arith.select %and3A_202, %sub3A_204, %div3A_183 : i32
      %jit3A_206 = arith.constant 8 : i32
      %eq3A_207 = arith.constant 0 : i32
      %eq3A_208 = arith.cmpi eq, %jit3A_206, %eq3A_207 : i32
      %jit3A_209 = arith.constant 1 : i32
      %select_n3A_210 = arith.select %eq3A_208, %jit3A_209, %jit3A_206 : i32
      %rem3A_211 = arith.remsi %get3A_165, %select_n3A_210 : i32
      %ne3A_212 = arith.constant 0 : i32
      %ne3A_213 = arith.cmpi ne, %rem3A_211, %ne3A_212 : i32
      %lt3A_214 = arith.constant 0 : i32
      %lt3A_215 = arith.cmpi slt, %rem3A_211, %lt3A_214 : i32
      %lt3A_216 = arith.constant 0 : i32
      %lt3A_217 = arith.cmpi slt, %select_n3A_210, %lt3A_216 : i32
      %ne3A_218 = arith.xori %lt3A_215, %lt3A_217 : i1
      %and3A_219 = arith.andi %ne3A_218, %ne3A_213 : i1
      %add3A_220 = arith.addi %rem3A_211, %select_n3A_210 : i32
      %select_n3A_221 = arith.select %and3A_219, %add3A_220, %rem3A_211 : i32
      %mul3A_222 = arith.constant 512 : i32
      %mul3A_223 = arith.muli %select_n3A_221, %mul3A_222 : i32
      %jit3A_224 = arith.constant 2 : i32
      %eq3A_225 = arith.constant 0 : i32
      %eq3A_226 = arith.cmpi eq, %jit3A_224, %eq3A_225 : i32
      %jit3A_227 = arith.constant 1 : i32
      %select_n3A_228 = arith.select %eq3A_226, %jit3A_227, %jit3A_224 : i32
      %rem3A_229 = arith.remsi %while3A_32, %select_n3A_228 : i32
      %ne3A_230 = arith.constant 0 : i32
      %ne3A_231 = arith.cmpi ne, %rem3A_229, %ne3A_230 : i32
      %lt3A_232 = arith.constant 0 : i32
      %lt3A_233 = arith.cmpi slt, %rem3A_229, %lt3A_232 : i32
      %lt3A_234 = arith.constant 0 : i32
      %lt3A_235 = arith.cmpi slt, %select_n3A_228, %lt3A_234 : i32
      %ne3A_236 = arith.xori %lt3A_233, %lt3A_235 : i1
      %and3A_237 = arith.andi %ne3A_236, %ne3A_231 : i1
      %add3A_238 = arith.addi %rem3A_229, %select_n3A_228 : i32
      %select_n3A_239 = arith.select %and3A_237, %add3A_238, %rem3A_229 : i32
      %dma_start3A = tpu.memref_slice %arg8[%select_n3A_239] : memref<2x!tpu.dma_semaphore, #tpu.memory_space<semaphore_mem>> -> memref<1x!tpu.dma_semaphore, #tpu.memory_space<semaphore_mem>>
      %dma_start3A_240 = tpu.memref_squeeze %dma_start3A : memref<1x!tpu.dma_semaphore, #tpu.memory_space<semaphore_mem>> -> memref<!tpu.dma_semaphore, #tpu.memory_space<semaphore_mem>>
      %dma_start3A_241 = tpu.memref_slice %arg4[%select_n3A_205, %mul3A_223] : memref<16x4096xi32, #tpu.memory_space<any>> -> memref<1x512xi32, #tpu.memory_space<any>>
      %dma_start3A_242 = arith.constant 0 : i32
      %dma_start3A_243 = arith.constant 0 : i32
      %dma_start3A_244 = tpu.memref_slice %arg6[%select_n3A_181, %dma_start3A_242, %dma_start3A_243] : memref<2x1x512xi32, #tpu.memory_space<vmem>> -> memref<1x1x512xi32, #tpu.memory_space<vmem>>
      %dma_start3A_245 = tpu.memref_squeeze %dma_start3A_244 : memref<1x1x512xi32, #tpu.memory_space<vmem>> -> memref<1x512xi32, #tpu.memory_space<vmem>>
      tpu.enqueue_dma source(%dma_start3A_245 : memref<1x512xi32, #tpu.memory_space<vmem>>) target(%dma_start3A_241 : memref<1x512xi32, #tpu.memory_space<any>>) target_semaphore(%dma_start3A_240 : memref<!tpu.dma_semaphore, #tpu.memory_space<semaphore_mem>>)
    }
    %gt3A_22 = arith.constant 0 : i32
    %gt3A_23 = arith.cmpi sgt, %get3A_0, %gt3A_22 : i32
    %convert_element_type3A_24 = arith.extui %gt3A_23 : i1 to i32
    %cond3A_25 = arith.constant 0 : i32
    %cond3A_26 = arith.cmpi ne, %convert_element_type3A_24, %cond3A_25 : i32
    scf.if %cond3A_26 {
      %sub3A = arith.constant 1 : i32
      %sub3A_32 = arith.subi %get3A_0, %sub3A : i32
      %sub3A_33 = arith.constant 0 : i32
      %sub3A_34 = arith.subi %sub3A_32, %sub3A_33 : i32
      %jit3A = arith.constant 2 : i32
      %eq3A = arith.constant 0 : i32
      %eq3A_35 = arith.cmpi eq, %jit3A, %eq3A : i32
      %jit3A_36 = arith.constant 1 : i32
      %select_n3A = arith.select %eq3A_35, %jit3A_36, %jit3A : i32
      %rem3A = arith.remsi %sub3A_34, %select_n3A : i32
      %ne3A = arith.constant 0 : i32
      %ne3A_37 = arith.cmpi ne, %rem3A, %ne3A : i32
      %lt3A = arith.constant 0 : i32
      %lt3A_38 = arith.cmpi slt, %rem3A, %lt3A : i32
      %lt3A_39 = arith.constant 0 : i32
      %lt3A_40 = arith.cmpi slt, %select_n3A, %lt3A_39 : i32
      %ne3A_41 = arith.xori %lt3A_38, %lt3A_40 : i1
      %and3A = arith.andi %ne3A_41, %ne3A_37 : i1
      %add3A = arith.addi %rem3A, %select_n3A : i32
      %select_n3A_42 = arith.select %and3A, %add3A, %rem3A : i32
      %jit3A_43 = arith.constant 2 : i32
      %eq3A_44 = arith.constant 0 : i32
      %eq3A_45 = arith.cmpi eq, %jit3A_43, %eq3A_44 : i32
      %jit3A_46 = arith.constant 1 : i32
      %select_n3A_47 = arith.select %eq3A_45, %jit3A_46, %jit3A_43 : i32
      %rem3A_48 = arith.remsi %sub3A_34, %select_n3A_47 : i32
      %ne3A_49 = arith.constant 0 : i32
      %ne3A_50 = arith.cmpi ne, %rem3A_48, %ne3A_49 : i32
      %lt3A_51 = arith.constant 0 : i32
      %lt3A_52 = arith.cmpi slt, %rem3A_48, %lt3A_51 : i32
      %lt3A_53 = arith.constant 0 : i32
      %lt3A_54 = arith.cmpi slt, %select_n3A_47, %lt3A_53 : i32
      %ne3A_55 = arith.xori %lt3A_52, %lt3A_54 : i1
      %and3A_56 = arith.andi %ne3A_55, %ne3A_50 : i1
      %add3A_57 = arith.addi %rem3A_48, %select_n3A_47 : i32
      %select_n3A_58 = arith.select %and3A_56, %add3A_57, %rem3A_48 : i32
      %jit3A_59 = arith.constant 2 : i32
      %eq3A_60 = arith.constant 0 : i32
      %eq3A_61 = arith.cmpi eq, %jit3A_59, %eq3A_60 : i32
      %jit3A_62 = arith.constant 1 : i32
      %select_n3A_63 = arith.select %eq3A_61, %jit3A_62, %jit3A_59 : i32
      %rem3A_64 = arith.remsi %sub3A_34, %select_n3A_63 : i32
      %ne3A_65 = arith.constant 0 : i32
      %ne3A_66 = arith.cmpi ne, %rem3A_64, %ne3A_65 : i32
      %lt3A_67 = arith.constant 0 : i32
      %lt3A_68 = arith.cmpi slt, %rem3A_64, %lt3A_67 : i32
      %lt3A_69 = arith.constant 0 : i32
      %lt3A_70 = arith.cmpi slt, %select_n3A_63, %lt3A_69 : i32
      %ne3A_71 = arith.xori %lt3A_68, %lt3A_70 : i1
      %and3A_72 = arith.andi %ne3A_71, %ne3A_66 : i1
      %add3A_73 = arith.addi %rem3A_64, %select_n3A_63 : i32
      %select_n3A_74 = arith.select %and3A_72, %add3A_73, %rem3A_64 : i32
      %dma_wait3A = tpu.memref_slice %arg8[%select_n3A_74] : memref<2x!tpu.dma_semaphore, #tpu.memory_space<semaphore_mem>> -> memref<1x!tpu.dma_semaphore, #tpu.memory_space<semaphore_mem>>
      %dma_wait3A_75 = tpu.memref_squeeze %dma_wait3A : memref<1x!tpu.dma_semaphore, #tpu.memory_space<semaphore_mem>> -> memref<!tpu.dma_semaphore, #tpu.memory_space<semaphore_mem>>
      %dma_wait3A_76 = arith.constant 0 : i32
      %dma_wait3A_77 = arith.constant 0 : i32
      %dma_wait3A_78 = tpu.memref_slice %arg6[%select_n3A_58, %dma_wait3A_76, %dma_wait3A_77] : memref<2x1x512xi32, #tpu.memory_space<vmem>> -> memref<1x1x512xi32, #tpu.memory_space<vmem>>
      %dma_wait3A_79 = tpu.memref_squeeze %dma_wait3A_78 : memref<1x1x512xi32, #tpu.memory_space<vmem>> -> memref<1x512xi32, #tpu.memory_space<vmem>>
      %dma_wait3A_80 = arith.constant 0 : i32
      %dma_wait3A_81 = arith.constant 0 : i32
      %dma_wait3A_82 = tpu.memref_slice %arg6[%select_n3A_42, %dma_wait3A_80, %dma_wait3A_81] : memref<2x1x512xi32, #tpu.memory_space<vmem>> -> memref<1x1x512xi32, #tpu.memory_space<vmem>>
      %dma_wait3A_83 = tpu.memref_squeeze %dma_wait3A_82 : memref<1x1x512xi32, #tpu.memory_space<vmem>> -> memref<1x512xi32, #tpu.memory_space<vmem>>
      tpu.wait_dma2 semaphore(%dma_wait3A_75 : memref<!tpu.dma_semaphore, #tpu.memory_space<semaphore_mem>>) src(%dma_wait3A_83 : memref<1x512xi32, #tpu.memory_space<vmem>>) dst(%dma_wait3A_79 : memref<1x512xi32, #tpu.memory_space<vmem>>)
    } else {
    }
    %gt3A_27 = arith.constant 1 : i32
    %gt3A_28 = arith.cmpi sgt, %get3A_0, %gt3A_27 : i32
    %convert_element_type3A_29 = arith.extui %gt3A_28 : i1 to i32
    %cond3A_30 = arith.constant 0 : i32
    %cond3A_31 = arith.cmpi ne, %convert_element_type3A_29, %cond3A_30 : i32
    scf.if %cond3A_31 {
      %sub3A = arith.constant 1 : i32
      %sub3A_32 = arith.subi %get3A_0, %sub3A : i32
      %sub3A_33 = arith.constant 1 : i32
      %sub3A_34 = arith.subi %sub3A_32, %sub3A_33 : i32
      %jit3A = arith.constant 2 : i32
      %eq3A = arith.constant 0 : i32
      %eq3A_35 = arith.cmpi eq, %jit3A, %eq3A : i32
      %jit3A_36 = arith.constant 1 : i32
      %select_n3A = arith.select %eq3A_35, %jit3A_36, %jit3A : i32
      %rem3A = arith.remsi %sub3A_34, %select_n3A : i32
      %ne3A = arith.constant 0 : i32
      %ne3A_37 = arith.cmpi ne, %rem3A, %ne3A : i32
      %lt3A = arith.constant 0 : i32
      %lt3A_38 = arith.cmpi slt, %rem3A, %lt3A : i32
      %lt3A_39 = arith.constant 0 : i32
      %lt3A_40 = arith.cmpi slt, %select_n3A, %lt3A_39 : i32
      %ne3A_41 = arith.xori %lt3A_38, %lt3A_40 : i1
      %and3A = arith.andi %ne3A_41, %ne3A_37 : i1
      %add3A = arith.addi %rem3A, %select_n3A : i32
      %select_n3A_42 = arith.select %and3A, %add3A, %rem3A : i32
      %jit3A_43 = arith.constant 2 : i32
      %eq3A_44 = arith.constant 0 : i32
      %eq3A_45 = arith.cmpi eq, %jit3A_43, %eq3A_44 : i32
      %jit3A_46 = arith.constant 1 : i32
      %select_n3A_47 = arith.select %eq3A_45, %jit3A_46, %jit3A_43 : i32
      %rem3A_48 = arith.remsi %sub3A_34, %select_n3A_47 : i32
      %ne3A_49 = arith.constant 0 : i32
      %ne3A_50 = arith.cmpi ne, %rem3A_48, %ne3A_49 : i32
      %lt3A_51 = arith.constant 0 : i32
      %lt3A_52 = arith.cmpi slt, %rem3A_48, %lt3A_51 : i32
      %lt3A_53 = arith.constant 0 : i32
      %lt3A_54 = arith.cmpi slt, %select_n3A_47, %lt3A_53 : i32
      %ne3A_55 = arith.xori %lt3A_52, %lt3A_54 : i1
      %and3A_56 = arith.andi %ne3A_55, %ne3A_50 : i1
      %add3A_57 = arith.addi %rem3A_48, %select_n3A_47 : i32
      %select_n3A_58 = arith.select %and3A_56, %add3A_57, %rem3A_48 : i32
      %jit3A_59 = arith.constant 2 : i32
      %eq3A_60 = arith.constant 0 : i32
      %eq3A_61 = arith.cmpi eq, %jit3A_59, %eq3A_60 : i32
      %jit3A_62 = arith.constant 1 : i32
      %select_n3A_63 = arith.select %eq3A_61, %jit3A_62, %jit3A_59 : i32
      %rem3A_64 = arith.remsi %sub3A_34, %select_n3A_63 : i32
      %ne3A_65 = arith.constant 0 : i32
      %ne3A_66 = arith.cmpi ne, %rem3A_64, %ne3A_65 : i32
      %lt3A_67 = arith.constant 0 : i32
      %lt3A_68 = arith.cmpi slt, %rem3A_64, %lt3A_67 : i32
      %lt3A_69 = arith.constant 0 : i32
      %lt3A_70 = arith.cmpi slt, %select_n3A_63, %lt3A_69 : i32
      %ne3A_71 = arith.xori %lt3A_68, %lt3A_70 : i1
      %and3A_72 = arith.andi %ne3A_71, %ne3A_66 : i1
      %add3A_73 = arith.addi %rem3A_64, %select_n3A_63 : i32
      %select_n3A_74 = arith.select %and3A_72, %add3A_73, %rem3A_64 : i32
      %dma_wait3A = tpu.memref_slice %arg8[%select_n3A_74] : memref<2x!tpu.dma_semaphore, #tpu.memory_space<semaphore_mem>> -> memref<1x!tpu.dma_semaphore, #tpu.memory_space<semaphore_mem>>
      %dma_wait3A_75 = tpu.memref_squeeze %dma_wait3A : memref<1x!tpu.dma_semaphore, #tpu.memory_space<semaphore_mem>> -> memref<!tpu.dma_semaphore, #tpu.memory_space<semaphore_mem>>
      %dma_wait3A_76 = arith.constant 0 : i32
      %dma_wait3A_77 = arith.constant 0 : i32
      %dma_wait3A_78 = tpu.memref_slice %arg6[%select_n3A_58, %dma_wait3A_76, %dma_wait3A_77] : memref<2x1x512xi32, #tpu.memory_space<vmem>> -> memref<1x1x512xi32, #tpu.memory_space<vmem>>
      %dma_wait3A_79 = tpu.memref_squeeze %dma_wait3A_78 : memref<1x1x512xi32, #tpu.memory_space<vmem>> -> memref<1x512xi32, #tpu.memory_space<vmem>>
      %dma_wait3A_80 = arith.constant 0 : i32
      %dma_wait3A_81 = arith.constant 0 : i32
      %dma_wait3A_82 = tpu.memref_slice %arg6[%select_n3A_42, %dma_wait3A_80, %dma_wait3A_81] : memref<2x1x512xi32, #tpu.memory_space<vmem>> -> memref<1x1x512xi32, #tpu.memory_space<vmem>>
      %dma_wait3A_83 = tpu.memref_squeeze %dma_wait3A_82 : memref<1x1x512xi32, #tpu.memory_space<vmem>> -> memref<1x512xi32, #tpu.memory_space<vmem>>
      tpu.wait_dma2 semaphore(%dma_wait3A_75 : memref<!tpu.dma_semaphore, #tpu.memory_space<semaphore_mem>>) src(%dma_wait3A_83 : memref<1x512xi32, #tpu.memory_space<vmem>>) dst(%dma_wait3A_79 : memref<1x512xi32, #tpu.memory_space<vmem>>)
    } else {
    }
    return
  }
}

</mosaic_0001>

<sc_bundles>
// kernel: kernel.4.cloned.1.call-start
scs
__scs_entry_jumppad:
0x0: {  	(pc) =	sbr.rel $0x88, $3  }
0x1: {  	(tag) =	ssettag $0x0;
	lr =	simm.s32 $0x1  }
0x2: {  	[smem:$0x3F9F] =	sst lr;
	_ =	strace $0xD0000000  }
0x3: {  	_ = 	snop  }
0x4: {  	_ = 	snop  }
0x5: {  	_ = 	snop  }
0x6: {  	_ = 	snop  }
0x7: {  	_ = 	snop  }
__scs_overlays_trampoline_lowered:
0x8: {  	[smem:$0x3FAE] =	sst s0  }
0x9: {  	[smem:$0x3FAF] =	sst s1  }
0xa: {  	[smem:$0x3FB0] =	sst s2  }
0xb: {  	[smem:$0x3FB1] =	sst s3  }
0xc: {  	[smem:$0x3FB2] =	sst s4  }
0xd: {  	[smem:$0x3FB3] =	sst s5  }
0xe: {  	[smem:$0x3FB4] =	sst s6  }
0xf: {  	[smem:$0x3FB5] =	sst s7  }
0x10: {  	[smem:$0x3FB6] =	sst s8  }
0x11: {  	[smem:$0x3FB7] =	sst s9;
	s0 =	simm.s32 @!p0 $0x0  }
0x12: {  	s1 =	sld [smem:$0x3F9D];
	s0 =	simm.s32 @p0 $0x1  }
0x13: {  	[smem:$0x3FB8] =	sst s0;
	s0 =	simm.s32 @!p1 $0x0  }
0x14: {  	s2 =	sld [smem:$0x3F9C];
	s0 =	simm.s32 @p1 $0x1  }
0x15: {  	[smem:$0x3FB9] =	sst s0;
	s0 =	simm.s32 @!p2 $0x0  }
0x16: {  	s3 =	sld [smem:$0x3FDB];
	s0 =	simm.s32 @p2 $0x1  }
0x17: {  	s4 =	simm.s32 $0x1BF5;
	[smem:$0x3FBB] =	sst s0  }
0x18: {  	s0 =	sld [smem:$0x3F9E];
	_ =	swait.ge [sflag:s4], $0x0  }
0x19: {  	s7 =	sld [smem:$0x3F9F]  }
0x1a: {  	s8 =	sadd.s32 $0xFFFFE003, lr  }
0x1b: {  	s9 =	sadd.s32 $0xFFFFFEF7, lr;
	s5 =	simm.s32 $0xFFFFFFFF;
	p2 =	slt.u32 s8, $0xFFFFF086  }
0x1c: {  	p1 =	slt.u32 s9, $0xF7A;
	s5 =	simm.s32 @!p2 $0x0  }
0x1d: {  	s5 =	simm.s32 @p1 $0x1;
	p0 =	seq.s32 s7, s2  }
0x1e: {  	s7 =	smul.u32 @!p0 $0xF7A, s2;
	p2 =	seq.s32 @!p0 s5, $0x0  }
0x1f: {  	s9 =	smul.u32 $0xF7A, s1;
	s8 =	simm.s32 @!p0 $0x1BF5;
	p2 =	por !p2, p0  }
0x20: {  	[sflag:s8] =	ssyncset.s32 @!p0 $0xFFFFF086;
	s6 =	sadd.s32 @!p0 s3, s7;
	s7 =	simm.s32 @!p0 $0x108  }
0x21: {  	s3 =	sadd.s32 s3, s9;
	s6 =	sadd.s32 @!p0 $0x88, s6;
	s7 =	simm.s32 @p2 $0x1082  }
0x22: {  	[simem:s7], [sflag:s8] =	dma.local @!p0 [hbm:s6], $0xF7A  }
0x23: {  	s9 =	sor.u32 $0xD0000000, s2;
	s6 =	simm.s32 $0x108;
	_ =	swait.ge @!p0 [sflag:s8], $0x0  }
0x24: {  	s3 =	sadd.s32 $0x88, s3;
	s6 =	simm.s32 @!p1 $0x1082;
	[sflag:s4] =	ssyncset.s32 $0xFFFFF086  }
0x25: {  	[simem:s6], [sflag:s4] =	dma.local [hbm:s3], $0xF7A  }
0x26: {  	[smem:$0x3F9F] =	sst s1;
	(tag) =	ssettag s2;
	_ =	strace s9  }
0x27: {  	s1 =	sld [smem:$0x3FAF]  }
0x28: {  	s2 =	sld [smem:$0x3FB0]  }
0x29: {  	s4 =	sld [smem:$0x3FB2]  }
0x2a: {  	p0 =	seq.s32 s5, $0x0;
	s5 =	sld [smem:$0x3FB3]  }
0x2b: {  	s6 =	sld [smem:$0x3FB4]  }
0x2c: {  	s7 =	sld [smem:$0x3FB5]  }
0x2d: {  	s3 =	simm.s32 $0x108;
	s8 =	sld [smem:$0x3FB6]  }
0x2e: {  	s3 =	simm.s32 @!p0 $0x1082;
	s9 =	sld [smem:$0x3FB7]  }
0x2f: {  	lr =	sadd.s32 s0, s3;
	s0 =	sld [smem:$0x3FAE]  }
0x30: {  	s3 =	sld [smem:$0x3FB1]  }
0x31: {  	[smem:$0x3FBA] =	sst s10  }
0x32: {  	s10 =	sld [smem:$0x3FB8];
	_ =	sdelay $0x3  }
0x33: {  	p0 =	seq.s32 s10, $0x1;
	s10 =	sld [smem:$0x3FBA];
	_ =	sdelay $0x3  }
0x34: {  	[smem:$0x3FBA] =	sst s10  }
0x35: {  	s10 =	sld [smem:$0x3FB9];
	_ =	sdelay $0x3  }
0x36: {  	p1 =	seq.s32 s10, $0x1;
	s10 =	sld [smem:$0x3FBA];
	_ =	sdelay $0x3  }
0x37: {  	[smem:$0x3FBA] =	sst s10  }
0x38: {  	s10 =	sld [smem:$0x3FBB]  }
0x39: {  	_ = 	snop;
	(pc) =	sbr.ind lr, $3  }
0x3a: {  	_ = 	snop  }
0x3b: {  	_ = 	snop  }
0x3c: {  	p2 =	seq.s32 s10, $0x1;
	s10 =	sld [smem:$0x3FBA]  }
0x3d: {  	_ =	shalt  }
0x3e: {  	_ =	shalt  }
0x3f: {  	_ =	shalt  }
0x40: {  	_ =	shalt  }
0x41: {  	_ =	shalt  }
0x42: {  	_ =	shalt  }
0x43: {  	_ =	shalt  }
0x44: {  	_ =	shalt  }
0x45: {  	_ =	shalt  }
0x46: {  	_ =	shalt  }
0x47: {  	_ =	shalt  }
0x48: {  	_ =	shalt  }
0x49: {  	_ =	shalt  }
0x4a: {  	_ =	shalt  }
0x4b: {  	_ =	shalt  }
0x4c: {  	_ =	shalt  }
0x4d: {  	_ =	shalt  }
0x4e: {  	_ =	shalt  }
0x4f: {  	_ =	shalt  }
0x50: {  	_ =	shalt  }
0x51: {  	_ =	shalt  }
0x52: {  	_ =	shalt  }
0x53: {  	_ =	shalt  }
0x54: {  	_ =	shalt  }
0x55: {  	_ =	shalt  }
0x56: {  	_ =	shalt  }
0x57: {  	_ =	shalt  }
0x58: {  	_ =	shalt  }
0x59: {  	_ =	shalt  }
0x5a: {  	_ =	shalt  }
0x5b: {  	_ =	shalt  }
0x5c: {  	_ =	shalt  }
0x5d: {  	_ =	shalt  }
0x5e: {  	_ =	shalt  }
0x5f: {  	_ =	shalt  }
0x60: {  	_ =	shalt  }
0x61: {  	_ =	shalt  }
0x62: {  	_ =	shalt  }
0x63: {  	_ =	shalt  }
0x64: {  	_ =	shalt  }
0x65: {  	_ =	shalt  }
0x66: {  	_ =	shalt  }
0x67: {  	_ =	shalt  }
0x68: {  	_ =	shalt  }
0x69: {  	_ =	shalt  }
0x6a: {  	_ =	shalt  }
0x6b: {  	_ =	shalt  }
0x6c: {  	_ =	shalt  }
0x6d: {  	_ =	shalt  }
0x6e: {  	_ =	shalt  }
0x6f: {  	_ =	shalt  }
0x70: {  	_ =	shalt  }
0x71: {  	_ =	shalt  }
0x72: {  	_ =	shalt  }
0x73: {  	_ =	shalt  }
0x74: {  	_ =	shalt  }
0x75: {  	_ =	shalt  }
0x76: {  	_ =	shalt  }
0x77: {  	_ =	shalt  }
0x78: {  	_ =	shalt  }
0x79: {  	_ =	shalt  }
0x7a: {  	_ =	shalt  }
0x7b: {  	_ =	shalt  }
0x7c: {  	_ =	shalt  }
0x7d: {  	_ =	shalt  }
0x7e: {  	_ =	shalt  }
0x7f: {  	_ =	shalt  }
0x80: {  	_ =	shalt  }
0x81: {  	_ =	shalt  }
0x82: {  	_ =	shalt  }
0x83: {  	_ =	shalt  }
0x84: {  	_ =	shalt  }
0x85: {  	_ =	shalt  }
0x86: {  	_ =	shalt  }
0x87: {  	_ =	shalt  }
.Lfunc_end0:
.L_simem_size_0:
called_computation_lowered:
.L_overlay_start_0:
0x88: {  	s2 =	sld [smem:$0x3FD9]  }
0x89: {  	s3 =	sld [smem:$0x3FFE];
	_ =	sdelay $0x1  }
0x8a: {  	s1 =	srdreg.scid  }
0x8b: {  	s0 =	sand.u32 $0x1, s1  }
0x8c: {  	s14 =	sshll.u32 s0, $0xA;
	s2 =	sadd.s32 s3, s2  }
0x8d: {  	s2 =	sadd.s32 s2, s14  }
0x8e: {  	[smem:$0x3FC6] =	sst s2  }
0x8f: {  	_ = 	snop  }
0x90: {  	s2 =	sld [smem:$0x3FD0];
	_ =	sdelay $0x2  }
0x91: {  	s15 =	simm.s32 $0xA;
	s4 =	simm.s32 $0x10  }
0x92: {  	[smem:s4], [sflag:s15] =	dma.local [hbm:s2], $0x1  }
0x93: {  	_ =	swait.eq [sflag:s15], $0x1  }
0x94: {  	[sflag:s15] =	ssyncset.done $0x0  }
0x95: {  	[sflag:s15] =	ssyncadd.s32 $0xFFFFFFFF  }
0x96: {  	s16 =	sld [smem:$0x10];
	(tm) =	ssettm $0x1  }
0x97: {  	s17 =	sld [smem:$0x3FFB];
	_ =	sdelay $0x3  }
0x98: {  	_ =	strace s17  }
0x99: {  	s3 =	sld [smem:$0x3FFC];
	_ =	sdelay $0x3  }
0x9a: {  	_ =	strace s3  }
0x9b: {  	s3 =	sld [smem:$0x3FFD];
	_ =	sdelay $0x3  }
0x9c: {  	_ =	strace s3  }
0x9d: {  	_ =	strace $0x8FFFFFFF  }
0x9e: {  	s18 =	sld [smem:$0x3FDB];
	_ =	sdelay $0x1  }
0x9f: {  	s19 =	simm.s32 $_scs_section_size  }
0xa0: {  	s5 =	simm.s32 $_size__tile_overlayer_lowered;
	s6 =	simm.s32 $_tile_overlayer_lowered  }
0xa1: {  	s22 =	simm.s32 $0x1BFF;
	s21 =	sshll.u32 s6, $0x1;
	s3 =	sadd.s32 s19, s18  }
0xa2: {  	s7 =	simm.s32 $0x0;
	s20 =	sshll.u32 s5, $0x1;
	s5 =	sadd.s32 s21, s3  }
0xa3: {  	[timem:s7], [sflag:s22] =	dma.local [hbm:s5], s20  }
0xa4: {  	_ =	swait.ge [sflag:s22], s20  }
0xa5: {  	s4 =	ssub.s32 $0x0, s20;
	[sflag:s22] =	ssyncset.done $0x0  }
0xa6: {  	[sflag:s22] =	ssyncadd.s32 s4;
	_ =	sdelay $0x1  }
0xa7: {  	s23 =	simm.s32 $0x1B8B  }
0xa8: {  	_ =	swait.ge [sflag:s23], $0x1  }
0xa9: {  	[sflag:s23] =	ssyncset.done $0x0  }
0xaa: {  	s25 =	simm.s32 $0x1B8E;
	s24 =	sld [smem:$0x3FFE];
	[sflag:s23] =	ssyncadd.s32 $0xFFFFFFFF  }
0xab: {  	s26 =	simm.s32 $execute0_lowered;
	[smem:$0x3FD2] =	sst s25  }
0xac: {  	s5 =	sshll.u32 s26, $0x1;
	_ =	strace $0x80000046;
	[dreg:$0x1] =	wrdreg $0xFFFFFFFF  }
0xad: {  	s28 =	simm.s32 $_size_execute0_lowered;
	s3 =	sadd.s32 s3, s5;
	[dreg:$0x0] =	wrdreg $0x0  }
0xae: {  	s5 =	sshll.u32 s28, $0x1;
	[dreg:$0x2] =	wrdreg s3  }
0xaf: {  	[dreg:$0x3] =	wrdreg s5  }
0xb0: {  	[dreg:$0x4] =	wrdreg $0xC0  }
0xb1: {  	_ =	task [dreg:s7], $0x5FFFF  }
0xb2: {  	[dreg:$0x1] =	wrdreg $0xFFFFFFFF  }
0xb3: {  	[dreg:$0x0] =	wrdreg $0x60  }
0xb4: {  	[dreg:$0x2] =	wrdreg s16  }
0xb5: {  	[dreg:$0x3] =	wrdreg s24  }
0xb6: {  	[dreg:$0x4] =	wrdreg $0x9  }
0xb7: {  	_ =	task.clear_ibuf [dreg:s7], $0x5FFFF;
	_ =	strace $0x90000046  }
0xb8: {  	s29 =	simm.s32 $0x9;
	_ =	strace $0x80000048  }
0xb9: {  	_ =	swait.ge [sflag:s29], $0x1  }
0xba: {  	[sflag:s29] =	ssyncadd.s32 $0xFFFFFFFF  }
0xbb: {  	_ =	strace $0x90000048  }
0xbc: {  	_ =	sfence  }
0xbd: {  	s30 =	sld [smem:$0x0];
	_ =	sdelay $0x2  }
0xbe: {  	s31 =	sshll.u32 s1, $0xD;
	s1 =	sshrl.u32 s1, $0x2  }
0xbf: {  	s3 =	sand.u32 $0x4000, s31;
	s1 =	sadd.s32 s1, s30  }
0xc0: {  	s0 =	sor.u32 s3, s0;
	s1 =	sshll.u32 s1, $0x11  }
0xc1: {  	s0 =	sor.u32 s1, s0  }
0xc2: {  	s0 =	sadd.s32 $0x8F2B, s0  }
0xc3: {  	[sflag:s0] =	ssyncadd.remote.s32 $0x1  }
0xc4: {  	_ =	sfence.sel $0xFFFF  }
0xc5: {  	[dreg:$0x0] =	wrdreg $0xFFFFFFFF;
	(pc) =	sbr.abs _section_cstart, $3  }
0xc6: {  	[dreg:$0x1] =	wrdreg $0xFFFFFFFF  }
0xc7: {  	_ =	task.clear_ibuf [dreg:s7], $0x2FFFF;
	_ =	strace $0x9FFFFFFF  }
0xc8: {  	(tm) =	ssettm $0x7FFFFFFF  }
0xc9: {  	_ =	shalt  }
tec
execute0_lowered:
.L_overlay_start_1:
0x0: {  	(tag) =	ssettag $0x1  }
0x1: {  	s1 =	stileid.u32  }
0x2: {  	p0 =	sgt.u32 s1, $0x7  }
.Ltmp0:
0x3: {  	_ = 	snop;
	(pc) =	sbr.rel @p0 .LBB2_14-.Ltmp0, $4  }
0x4: {  	s3 =	rddreg [dreg:$0x0]  }
0x5: {  	s5 =	rddreg [dreg:$0x1];
	s2 =	simm.s32 $0x0  }
0x6: {  	[smem:$0x7FF] =	sst s2  }
0x7: {  	s0 =	rddreg [dreg:$0x2];
	_ =	strace $0x80000047  }
0x8: {  	s4 =	srdreg.scid;
	s6 =	sshll.u32 s1, $0x1  }
0x9: {  	s7 =	sadd.s32 $0x1C00, s5;
	s11 =	simm.s32 $0x1010;
	s4 =	sand.u32 $0x1, s4  }
0xa: {  	s12 =	simm.s32 $0x2010;
	s13 =	simm.s32 $0x0;
	s6 =	sor.u32 s4, s6  }
.Ltmp1:
0xb: {  	s9 =	ssub.s32 $0x2, s4;
	s8 =	sshll.u32 s6, $0x9;
	(pc) =	sbr.rel .LBB2_2-.Ltmp1, $4  }
0xc: {  	s6 =	sshll.u32 s6, $0x1;
	s10 =	sshrl.u32 s9, $0x1;
	s30 =	sadd.s32 s8, s5  }
0xd: {  	s3 =	sadd.s32 s3, s8;
	s31 =	ssub.s32 s9, s10;
	s5 =	sadd.s32 s5, s6  }
0xe: {  	s6 =	sadd.s32 s7, s6;
	s8 =	simm.s32 $0x2020;
	s9 =	simm.s32 $0x1  }
0xf: {  	v0 =	vimm.s32 $0x0;
	v1 =	vimm.s32 $0xFFFFFFFF;
	v2 =	vlaneseq.u32;
	s10 =	simm.s32 $0x10;
	s4 =	sadd.s32 $0x1E00, s30;
	s7 =	smax.u32 s31, $0x1  }
.LBB2_5:
0x10: {  	v3 =	vimm.s32 $0x0  }
.LBB2_13:
0x11: {  	[tilespmem:$0x2010] =	vst v3  }
0x12: {  	[hbm4b:s4+s2] =	stream.linear.scatter [tilespmem:s11], [sflag:$0x1], $0x1000, $0x38;
	[tilespmem:$0x2030] =	vst v63  }
0x13: {  	s13 =	sadd.s32 $0x1, s13;
	_ =	swait.ge [sflag:s9], $0x1000  }
0x14: {  	p0 =	sne.s32 s13, s7;
	[sflag:s9] =	ssyncset.done $0x0  }
.Ltmp2:
0x15: {  	[sflag:s9] =	ssyncadd.s32 $0xFFFFF000;
	(pc) =	sbr.rel @!p0 .LBB2_14-.Ltmp2, $4  }
0x16: {  	[hbm4b:s5+s2] =	stream.linear.scatter [tilespmem:s12], [sflag:$0x1], $0x10, $0x38;
	[tilespmem:$0x2030] =	vst v63  }
0x17: {  	_ =	swait.ge [sflag:s9], $0x10  }
0x18: {  	[sflag:s9] =	ssyncset.done $0x0  }
0x19: {  	[sflag:s9] =	ssyncadd.s32 $0xFFFFFFF0  }
.LBB2_2:
0x1a: {  	s14 =	simm.s32 $0x0  }
0x1b: {  	[tilespmem:s8], [sflag:$0x1] =	stream.linear.gather [hbm4b:s6+s14], $0x10, $0x38;
	[tilespmem:$0x2030] =	vst v63  }
0x1c: {  	_ =	swait.ge [sflag:s9], $0x10  }
0x1d: {  	[sflag:s9] =	ssyncset.done $0x0  }
0x1e: {  	[sflag:s9] =	ssyncadd.s32 $0xFFFFFFF0  }
0x1f: {  	[tilespmem:$0x0] =	vst v0  }
0x20: {  	v3 =	vld [tilespmem:$0x2020];
	[tilespmem:s10], [sflag:$0x1] =	stream.linear.gather [hbm4b:s3+s14], $0x1000, $0x38  }
0x21: {  	_ =	swait.ge [sflag:s9], $0x1000  }
0x22: {  	[sflag:s9] =	ssyncset.done $0x0  }
0x23: {  	s15 =	simm.s32 $0x40;
	s14 =	simm.s32 $0x0;
	[sflag:s9] =	ssyncadd.s32 $0xFFFFF000  }
.LBB2_3:
0x24: {  	p0 =	sne.s32 s15, $0x3FC0;
	[tilespmem:s14+$0x1010] =	vst v1;
	s14 =	smov.u32 s15;
	s15 =	sadd.s32 $0x40, s15  }
.Ltmp3:
0x25: {  	(pc) =	sbr.rel @p0 .LBB2_3-.Ltmp3, $2  }
0x26: {  	_ =	sdelay $0x2  }
0x27: {  	s14 =	sshra.s32 s14, $0x2  }
0x28: {  	(v2sf) =	vpush v3, $0x0;
	_ =	sdelay $0xe  }
0x29: {  	s15 =	spop (v2sf)  }
0x2a: {  	s15 =	sadd.s32 $0xF, s15  }
0x2b: {  	s16 =	sand.u32 $0xF, s15  }
0x2c: {  	s31 =	sshra.s32 s15, $0x1F;
	p1 =	slt.s32 s15, $0x1;
	p0 =	sne.s32 s16, $0x0  }
0x2d: {  	s16 =	sshrl.u32 s31, $0x1C;
	p0 =	por !p1, !p0  }
0x2e: {  	s15 =	sadd.s32 s16, s15;
	s16 =	simm.s32 $0x1;
	p0 =	por !p0, !p0  }
0x2f: {  	s15 =	sshra.s32 s15, $0x4;
	s16 =	simm.s32 @!p0 $0x0  }
0x30: {  	s15 =	ssub.s32 s15, s16  }
0x31: {  	p0 =	slt.s32 s15, $0x1  }
.Ltmp4:
0x32: {  	_ = 	snop;
	(pc) =	sbr.rel @p0 .LBB2_5-.Ltmp4, $2  }
0x33: {  	_ =	sdelay $0x2  }
0x34: {  	[tilespmem:s14+$0x1010] =	vst v1  }
0x35: {  	p1 =	sne.s32 s15, $0x1  }
.Ltmp5:
0x36: {  	_ = 	snop;
	(pc) =	sbr.rel @!p1 .LBB2_7-.Ltmp5, $4  }
0x37: {  	_ = 	snop  }
0x38: {  	s16 =	simm.s32 $0x10  }
0x39: {  	v8 =	vld [tilespmem:s16+$0xFFFFFFFF]  }
0x3a: {  	v3 =	vbroadcast v3, $0x0;
	v7 =	vimm.s32 $0x0;
	s14 =	simm.s32 $0x0;
	s15 =	sadd.s32 $0xFFFFFFFF, s15;
	p0 =	por $0x0, $0x0;
	v4 =	vld [tilespmem:s16+$0x0]  }
0x3b: {  	_ =	sdelay $0x3  }
0x3c: {  	v5 =	vor.u32 s14, v2;
	vm0 =	vne.s32 v4, v8;
	vm1 =	vne.s32 v4, $0x0  }
0x3d: {  	vm15 =	vlt.s32 v5, v3;
	vm0 =	vmand vm1, vm0  }
0x3e: {  	vm0 =	vmand vm15, vm0  }
0x3f: {  	v5 =	vsel vm0, $0x1, v0  }
0x40: {  	(xrf0) =	vadd.scan.msk.s32 $0xffff, v5;
	_ =	sdelay $0x5  }
0x41: {  	v5, _, _ =	vpop (xrf0)  }
0x42: {  	v5 =	vadd.s32 v5, v7  }
0x43: {  	v5 =	vadd.s32 $0xFFFFFFFF, v5;
	_ =	sdelay $0x1  }
0x44: {  	p1 =	sne.s32 s15, $0x1  }
.Ltmp6:
0x45: {  	_ = 	snop;
	(pc) =	sbr.rel @!p1 .LBB2_9-.Ltmp6, $4  }
0x46: {  	v6 =	vmpcnt.ones.xlane vm0  }
0x47: {  	s16 =	simm.s32 $0x20;
	[tilespmem:v5+s11+$0x0] =	vst.idx.msk vm0, v4  }
0x48: {  	v6 =	vadd.s32 v7, v6;
	v8 =	vld [tilespmem:s16+$0xFFFFFFFF]  }
0x49: {  	s17 =	sadd.s32 $0xFFFFFFFF, s15;
	p0 =	por $0x1, $0x1;
	s15 =	simm.s32 $0x0;
	v5 =	vmov v6;
	v4 =	vld [tilespmem:s16+$0x0]  }
.LBB2_10:
0x4a: {  	p1 =	sne.s32 s17, $0x1;
	_ =	sdelay $0x2  }
0x4b: {  	s15 =	sadd.s32 $0x10, s15  }
0x4c: {  	v7 =	vor.u32 s15, v2;
	vm0 =	vne.s32 v4, v8;
	vm1 =	vne.s32 v4, $0x0  }
0x4d: {  	vm0 =	vmand vm1, vm0;
	vm1 =	vlt.s32 v7, v3  }
0x4e: {  	vm0 =	vmand vm1, vm0  }
0x4f: {  	v7 =	vsel vm0, $0x1, v0;
	v8 =	vmpcnt.ones.xlane vm0  }
0x50: {  	(xrf0) =	vadd.scan.msk.s32 $0xffff, v7  }
0x51: {  	v6 =	vadd.s32 v6, v8;
	_ =	sdelay $0x4  }
0x52: {  	v7, _, _ =	vpop (xrf0)  }
0x53: {  	v7 =	vadd.s32 v7, v5;
	v5 =	vmov v6  }
0x54: {  	v7 =	vadd.s32 $0xFFFFFFFF, v7;
	_ =	sdelay $0x2  }
.Ltmp7:
0x55: {  	(pc) =	sbr.rel @p1 .LBB2_10-.Ltmp7, $4  }
0x56: {  	_ = 	snop  }
0x57: {  	s16 =	sadd.s32 $0x10, s16;
	[tilespmem:v7+s11+$0x0] =	vst.idx.msk vm0, v4  }
0x58: {  	v8 =	vld [tilespmem:s16+$0xFFFFFFFF]  }
0x59: {  	s17 =	sadd.s32 $0xFFFFFFFF, s17;
	v4 =	vld [tilespmem:s16+$0x0]  }
0x5a: {  	v7 =	vmov v6  }
.LBB2_12:
0x5b: {  	_ = 	snop  }
0x5c: {  	s15 =	sadd.s32 @p0 $0x10, s15  }
0x5d: {  	s14 =	smov.u32 @p0 s15  }
0x5e: {  	v6 =	vor.u32 s14, v2;
	vm0 =	vne.s32 v4, v8;
	vm1 =	vne.s32 v4, $0x0  }
0x5f: {  	vm15 =	vlt.s32 v6, v3;
	vm0 =	vmand vm1, vm0  }
0x60: {  	vm0 =	vmand vm15, vm0  }
0x61: {  	v3 =	vsel vm0, $0x1, v0  }
0x62: {  	(xrf0) =	vadd.scan.msk.s32 $0xffff, v3;
	_ =	sdelay $0x5  }
0x63: {  	v3, _, _ =	vpop (xrf0)  }
0x64: {  	v3 =	vadd.s32 v3, v5  }
0x65: {  	v5 =	vadd.s32 $0xFFFFFFFF, v3  }
.Ltmp8:
0x66: {  	_ = 	snop;
	(pc) =	sbr.rel .LBB2_13-.Ltmp8, $3  }
0x67: {  	_ = 	snop  }
0x68: {  	v3 =	vmpcnt.ones.xlane vm0;
	_ =	sdelay $0x1  }
0x69: {  	v3 =	vadd.s32 v7, v3;
	[tilespmem:v5+s11+$0x0] =	vst.idx.msk vm0, v4  }
.LBB2_7:
.Ltmp9:
0x6a: {  	(pc) =	sbr.rel .LBB2_12-.Ltmp9, $2  }
0x6b: {  	_ =	sdelay $0x2  }
0x6c: {  	s15 =	simm.s32 $0x0;
	v5 =	vimm.s32 $0x0  }
.LBB2_9:
.Ltmp10:
0x6d: {  	(pc) =	sbr.rel .LBB2_12-.Ltmp10, $2  }
0x6e: {  	_ =	sdelay $0x2  }
0x6f: {  	s15 =	simm.s32 $0x0;
	v7 =	vmov v6;
	v5 =	vmov v6  }
.LBB2_14:
0x70: {  	_ =	sfence.sel $0x180000  }
0x71: {  	[bflag:$0x0] =	sbarrier.arrive $0xFFFF  }
0x72: {  	p0 =	sne.s32 s1, $0x0;
	_ =	strace $0x90000047  }
0x73: {  	s0 =	sadd.s32 @!p0 $0x100000, s0;
	[bflag:$0x2] =	sbarrier.arrive $0xFFFF  }
0x74: {  	[sflag:s0] =	ssyncadd.tile.s32 @!p0 $0x1;
	_ =	shalt  }
.Lfunc_end2:
_tile_overlayer_lowered:
.L_overlay_start_2:
0x75: {  	(tag) =	ssettag $0x2  }
0x76: {  	s0 =	rddreg [dreg:$0x0];
	s2 =	stileid.u32  }
0x77: {  	s1 =	rddreg [dreg:$0x1];
	p0 =	sne.s32 s2, $0x0  }
0x78: {  	s3 =	rddreg [dreg:$0x2];
	[bflag:$0x3] =	sbarrier.arrive $0xFFFF;
	s2 =	simm.s32 @!p0 $0x1C01  }
0x79: {  	[timem:s3], [sflag:s2] =	dma.local @!p0 [hbm:s0], s1  }
0x7a: {  	s0 =	simm.s32 @!p0 $0x1  }
0x7b: {  	_ =	swait.ge @!p0 [sflag:s0], s1  }
0x7c: {  	s1 =	ssub.s32 @!p0 $0x0, s1;
	[sflag:s0] =	ssyncset.done @!p0 $0x0  }
0x7d: {  	[sflag:s0] =	ssyncadd.s32 @!p0 s1  }
0x7e: {  	[bflag:$0x3] =	sbarrier.arrive $0xFFFF  }
0x7f: {  	_ =	shalt  }

</sc_bundles>
